<compile_context>
chip_gen: v7x
topology: tpu7x:2x2x1
jax: 0.10.2.dev20260603
libtpu: 0.0.44.dev20260713+nightly
codegen_flags: <defaults>
</compile_context>

<pallas_src>
import functools

import jax
import jax.numpy as jnp
from jax import lax
from jax.experimental import pallas as pl
from jax.experimental.pallas import tpu as pltpu
from jax.experimental.pallas import tpu_sc as plsc

N, E, D = 10000, 320000, 128
NC, NS = 2, 16
NW = NC * NS
EPW = E // NW
K = 80
C = 125
NP = 10240
RPT = NP // NS


def _sc_partials(x, src, dst):
    mesh = plsc.VectorSubcoreMesh(core_axis_name="c", subcore_axis_name="s")

    @functools.partial(
        pl.kernel,
        out_type=jax.ShapeDtypeStruct((NC, NP, D), jnp.float32),
        mesh=mesh,
        scratch_types=[
            pltpu.VMEM((2, K), jnp.int32),
            pltpu.VMEM((C, K), jnp.int32),
            pltpu.VMEM((3, K, D), jnp.float32),
            pltpu.VMEM_SHARED((NP, D), jnp.float32),
            pltpu.SemaphoreType.DMA,
            pltpu.SemaphoreType.DMA,
            pltpu.SemaphoreType.DMA,
        ],
    )
    def sc_kernel(x_hbm, src_hbm, dst_hbm, out_hbm,
                  src_v, dst_v, rows_v, agg_sh, sem_g, sem_i, sem_s):
        cid = lax.axis_index("c")
        sid = lax.axis_index("s")
        wid = sid * NC + cid
        zv = jnp.zeros((16,), jnp.float32)

        def zero_row(i, carry):
            for j in range(8):
                rows_v[0, i, pl.ds(16 * j, 16)] = zv
            return carry

        lax.fori_loop(0, K, zero_row, 0)

        def zero_slice(r, carry):
            pltpu.sync_copy(rows_v.at[0],
                            agg_sh.at[pl.ds(sid * RPT + r * K, K)])
            return carry

        lax.fori_loop(0, RPT // K, zero_slice, 0)
        pltpu.sync_copy(dst_hbm.at[wid], dst_v)
        plsc.subcore_barrier()

        ibase = wid * EPW
        pltpu.sync_copy(src_hbm.at[pl.ds(ibase, K)], src_v.at[0])
        pltpu.async_copy(x_hbm.at[src_v.at[0]], rows_v.at[0], sem_g)
        pltpu.async_copy(src_hbm.at[pl.ds(ibase + K, K)], src_v.at[1], sem_i)

        def body(g, carry):
            @pl.when(g >= 2)
            def _free_buf():
                pltpu.make_async_copy(
                    rows_v.at[(g + 1) % 3],
                    agg_sh.at[dst_v.at[jnp.maximum(g - 2, 0)]], sem_s).wait()

            pltpu.make_async_copy(
                src_hbm.at[pl.ds(ibase + jnp.minimum(g + 1, C - 1) * K, K)],
                src_v.at[(g + 1) % 2], sem_i).wait()
            pltpu.async_copy(x_hbm.at[src_v.at[(g + 1) % 2]],
                             rows_v.at[(g + 1) % 3], sem_g)
            pltpu.make_async_copy(x_hbm.at[src_v.at[g % 2]],
                                  rows_v.at[g % 3], sem_g).wait()
            pltpu.async_copy(
                src_hbm.at[pl.ds(ibase + jnp.minimum(g + 2, C - 1) * K, K)],
                src_v.at[g % 2], sem_i)
            pltpu.async_copy(rows_v.at[g % 3], agg_sh.at[dst_v.at[g]],
                             sem_s, add=True)
            return carry

        lax.fori_loop(0, C, body, 0)
        pltpu.make_async_copy(x_hbm.at[src_v.at[C % 2]],
                              rows_v.at[C % 3], sem_g).wait()
        pltpu.make_async_copy(src_hbm.at[pl.ds(ibase + (C - 1) * K, K)],
                              src_v.at[(C - 1) % 2], sem_i).wait()

        def drain(g, carry):
            pltpu.make_async_copy(rows_v.at[g % 3],
                                  agg_sh.at[dst_v.at[g]], sem_s).wait()
            return carry

        lax.fori_loop(C - 2, C, drain, 0)
        plsc.subcore_barrier()
        pltpu.sync_copy(agg_sh.at[pl.ds(sid * RPT, RPT)],
                        out_hbm.at[cid].at[pl.ds(sid * RPT, RPT)])

    return sc_kernel(x, src, dst)


BM = 2000


def _tc_combine(x, p, w1, w2, b2d):

    def body(x_ref, p_ref, w1_ref, w2_ref, b_ref, o_ref):
        agg = p_ref[0] + p_ref[1]
        dn = (((1,), (1,)), ((), ()))
        o_ref[...] = (
            lax.dot_general(x_ref[...], w1_ref[...], dn,
                            preferred_element_type=jnp.float32)
            + lax.dot_general(agg, w2_ref[...], dn,
                              preferred_element_type=jnp.float32)
            + b_ref[...]
        )

    return pl.pallas_call(
        body,
        grid=(N // BM,),
        in_specs=[
            pl.BlockSpec((BM, D), lambda i: (i, 0)),
            pl.BlockSpec((NC, BM, D), lambda i: (0, i, 0)),
            pl.BlockSpec((D, D), lambda i: (0, 0)),
            pl.BlockSpec((D, D), lambda i: (0, 0)),
            pl.BlockSpec((1, D), lambda i: (0, 0)),
        ],
        out_specs=pl.BlockSpec((BM, D), lambda i: (i, 0)),
        out_shape=jax.ShapeDtypeStruct((N, D), jnp.float32),
    )(x, p, w1, w2, b2d)


def kernel(x, edge_index, W, b):
    src = edge_index[0]
    dst = edge_index[1].reshape(NW, C, K)
    p = _sc_partials(x, src, dst)
    w1 = W[:, :D]
    w2 = W[:, D:]
    return _tc_combine(x, p, w1, w2, b.reshape(1, D))

# --- scband reference (transcript-rebuilt; emitter-appended) ---
"""Pipeline reference for scband-dist-sage-conv-70042326663709 (READ-ONLY COPY).

The authoritative reference and input builder live on the scoring server;
editing this copy changes nothing except your own understanding.
"""

import jax, jax.numpy as jnp
import numpy as np

N, E, D_IN, D_OUT = 10000, 320000, 128, 128

def setup_inputs(seed: int = 0) -> dict:
    key = jax.random.key(seed)
    k1, k2, k3, k4 = jax.random.split(key, 4)
    x = jax.random.normal(k1, (N, D_IN), dtype=jnp.float32)
    edge_index = jax.random.randint(k2, (2, E), 0, N, dtype=jnp.int32)
    # fc: Linear(in_feats*2 -> out_feats), xavier_uniform with relu gain
    fan_in, fan_out = 2 * D_IN, D_OUT
    gain = float(np.sqrt(2.0))
    bound = gain * float(np.sqrt(6.0 / (fan_in + fan_out)))
    W = jax.random.uniform(k3, (D_OUT, 2 * D_IN), dtype=jnp.float32, minval=-bound, maxval=bound)
    b = jnp.zeros((D_OUT,), dtype=jnp.float32)
    return {"x": x, "edge_index": edge_index, "W": W, "b": b}

def reference(x, edge_index, W, b):
    # Single-device semantic equivalent of the 4-GPU DistSageConv:
    # gather() + cross-GPU pull/push shuffle == full-graph sum aggregation of
    # neighbor (src) features into dst nodes; self_gather == identity on x;
    # slice_owned_nodes over all 4 partitions == the full node set; the
    # replicated fc applied per partition == one dense layer over all nodes.
    # (feat_drop is constructed but never applied in the original forward.)
    src = edge_index[0]
    dst = edge_index[1]
    msgs = jnp.take(x, src, axis=0)
    agg = jax.ops.segment_sum(msgs, dst, num_segments=x.shape[0])
    h = jnp.concatenate([x, agg], axis=1)
    out = h @ W.T + b
    return out

if __name__ == "__main__":
    import jax
    _d = setup_inputs()
    print(jax.jit(kernel)(*tuple(_d.values())))

</pallas_src>

<mosaic_0001>
#map = affine_map<(d0, d1) -> (0, 0)>
#map1 = affine_map<(d0, d1) -> (0)>
#map2 = affine_map<(d0, d1) -> (0, 0, 0)>
module attributes {stable_mosaic.version = 14 : i64} {
  func.func @sc_kernel(%arg0: i32, %arg1: i32, %arg2: memref<10000x128xf32, #tpu.memory_space<hbm>>, %arg3: memref<320000xi32, #tpu.memory_space<hbm>>, %arg4: memref<32x125x80xi32, #tpu.memory_space<hbm>>, %arg5: memref<2x10240x128xf32, #tpu.memory_space<hbm>>, %arg6: memref<2x80xi32, #tpu.memory_space<vmem>>, %arg7: memref<125x80xi32, #tpu.memory_space<vmem>>, %arg8: memref<3x80x128xf32, #tpu.memory_space<vmem>>, %arg9: memref<10240x128xf32, #tpu.memory_space<vmem_shared>>, %arg10: memref<!tpu.dma_semaphore, #tpu.memory_space<semaphore_mem>>, %arg11: memref<!tpu.dma_semaphore, #tpu.memory_space<semaphore_mem>>, %arg12: memref<!tpu.dma_semaphore, #tpu.memory_space<semaphore_mem>>) attributes {dimension_semantics = [#tpu.dimension_semantics<core_parallel>, #tpu.dimension_semantics<subcore_parallel>], iteration_bounds = array<i64: 2, 16>, scalar_prefetch = 0 : i64, scratch_operands = 7 : i64, tpu.core_type = #tpu.core_type<sc_vector_subcore>, window_params = [{transform_indices = #map}, {transform_indices = #map1}, {transform_indices = #map2}, {transform_indices = #map2}]} {
    %mul3A = arith.constant 2 : i32
    %mul3A_0 = arith.muli %arg1, %mul3A : i32
    %add3A = arith.addi %mul3A_0, %arg0 : i32
    %broadcast_in_dim3A = arith.constant 0.000000e+00 : f32
    %broadcast_in_dim3A_1 = vector.broadcast %broadcast_in_dim3A : f32 to vector<16xf32>
    %scan3A = arith.constant 0 : i32
    %scan3A_2 = arith.constant 0 : i32
    %scan3A_3 = arith.constant 80 : i32
    %scan3A_4 = arith.addi %scan3A_2, %scan3A_3 : i32
    %scan3A_5 = arith.constant 1 : i32
    scf.for %scan3A_76 = %scan3A_2 to %scan3A_4 step %scan3A_5  : i32 {
      %swap3A = arith.constant 0 : i32
      %swap3A_77 = arith.index_cast %swap3A : i32 to index
      %swap3A_78 = arith.index_cast %scan3A_76 : i32 to index
      %swap3A_79 = arith.constant 0 : index
      %swap3A_80 = tpu.vector_load %arg8[%swap3A_77, %swap3A_78, %swap3A_79] {strides = array<i32>} : memref<3x80x128xf32, #tpu.memory_space<vmem>>, vector<1x1x16xf32>,
      %swap3A_81 = vector.shape_cast %swap3A_80 : vector<1x1x16xf32> to vector<16xf32>
      %swap3A_82 = vector.shape_cast %broadcast_in_dim3A_1 : vector<16xf32> to vector<1x1x16xf32>
      tpu.vector_store %arg8[%swap3A_77, %swap3A_78, %swap3A_79], %swap3A_82 {strides = array<i32>} : memref<3x80x128xf32, #tpu.memory_space<vmem>>, vector<1x1x16xf32>,
      %swap3A_83 = arith.constant 0 : i32
      %swap3A_84 = arith.index_cast %swap3A_83 : i32 to index
      %swap3A_85 = arith.index_cast %scan3A_76 : i32 to index
      %swap3A_86 = arith.constant 16 : index
      %swap3A_87 = tpu.vector_load %arg8[%swap3A_84, %swap3A_85, %swap3A_86] {strides = array<i32>} : memref<3x80x128xf32, #tpu.memory_space<vmem>>, vector<1x1x16xf32>,
      %swap3A_88 = vector.shape_cast %swap3A_87 : vector<1x1x16xf32> to vector<16xf32>
      %swap3A_89 = vector.shape_cast %broadcast_in_dim3A_1 : vector<16xf32> to vector<1x1x16xf32>
      tpu.vector_store %arg8[%swap3A_84, %swap3A_85, %swap3A_86], %swap3A_89 {strides = array<i32>} : memref<3x80x128xf32, #tpu.memory_space<vmem>>, vector<1x1x16xf32>,
      %swap3A_90 = arith.constant 0 : i32
      %swap3A_91 = arith.index_cast %swap3A_90 : i32 to index
      %swap3A_92 = arith.index_cast %scan3A_76 : i32 to index
      %swap3A_93 = arith.constant 32 : index
      %swap3A_94 = tpu.vector_load %arg8[%swap3A_91, %swap3A_92, %swap3A_93] {strides = array<i32>} : memref<3x80x128xf32, #tpu.memory_space<vmem>>, vector<1x1x16xf32>,
      %swap3A_95 = vector.shape_cast %swap3A_94 : vector<1x1x16xf32> to vector<16xf32>
      %swap3A_96 = vector.shape_cast %broadcast_in_dim3A_1 : vector<16xf32> to vector<1x1x16xf32>
      tpu.vector_store %arg8[%swap3A_91, %swap3A_92, %swap3A_93], %swap3A_96 {strides = array<i32>} : memref<3x80x128xf32, #tpu.memory_space<vmem>>, vector<1x1x16xf32>,
      %swap3A_97 = arith.constant 0 : i32
      %swap3A_98 = arith.index_cast %swap3A_97 : i32 to index
      %swap3A_99 = arith.index_cast %scan3A_76 : i32 to index
      %swap3A_100 = arith.constant 48 : index
      %swap3A_101 = tpu.vector_load %arg8[%swap3A_98, %swap3A_99, %swap3A_100] {strides = array<i32>} : memref<3x80x128xf32, #tpu.memory_space<vmem>>, vector<1x1x16xf32>,
      %swap3A_102 = vector.shape_cast %swap3A_101 : vector<1x1x16xf32> to vector<16xf32>
      %swap3A_103 = vector.shape_cast %broadcast_in_dim3A_1 : vector<16xf32> to vector<1x1x16xf32>
      tpu.vector_store %arg8[%swap3A_98, %swap3A_99, %swap3A_100], %swap3A_103 {strides = array<i32>} : memref<3x80x128xf32, #tpu.memory_space<vmem>>, vector<1x1x16xf32>,
      %swap3A_104 = arith.constant 0 : i32
      %swap3A_105 = arith.index_cast %swap3A_104 : i32 to index
      %swap3A_106 = arith.index_cast %scan3A_76 : i32 to index
      %swap3A_107 = arith.constant 64 : index
      %swap3A_108 = tpu.vector_load %arg8[%swap3A_105, %swap3A_106, %swap3A_107] {strides = array<i32>} : memref<3x80x128xf32, #tpu.memory_space<vmem>>, vector<1x1x16xf32>,
      %swap3A_109 = vector.shape_cast %swap3A_108 : vector<1x1x16xf32> to vector<16xf32>
      %swap3A_110 = vector.shape_cast %broadcast_in_dim3A_1 : vector<16xf32> to vector<1x1x16xf32>
      tpu.vector_store %arg8[%swap3A_105, %swap3A_106, %swap3A_107], %swap3A_110 {strides = array<i32>} : memref<3x80x128xf32, #tpu.memory_space<vmem>>, vector<1x1x16xf32>,
      %swap3A_111 = arith.constant 0 : i32
      %swap3A_112 = arith.index_cast %swap3A_111 : i32 to index
      %swap3A_113 = arith.index_cast %scan3A_76 : i32 to index
      %swap3A_114 = arith.constant 80 : index
      %swap3A_115 = tpu.vector_load %arg8[%swap3A_112, %swap3A_113, %swap3A_114] {strides = array<i32>} : memref<3x80x128xf32, #tpu.memory_space<vmem>>, vector<1x1x16xf32>,
      %swap3A_116 = vector.shape_cast %swap3A_115 : vector<1x1x16xf32> to vector<16xf32>
      %swap3A_117 = vector.shape_cast %broadcast_in_dim3A_1 : vector<16xf32> to vector<1x1x16xf32>
      tpu.vector_store %arg8[%swap3A_112, %swap3A_113, %swap3A_114], %swap3A_117 {strides = array<i32>} : memref<3x80x128xf32, #tpu.memory_space<vmem>>, vector<1x1x16xf32>,
      %swap3A_118 = arith.constant 0 : i32
      %swap3A_119 = arith.index_cast %swap3A_118 : i32 to index
      %swap3A_120 = arith.index_cast %scan3A_76 : i32 to index
      %swap3A_121 = arith.constant 96 : index
      %swap3A_122 = tpu.vector_load %arg8[%swap3A_119, %swap3A_120, %swap3A_121] {strides = array<i32>} : memref<3x80x128xf32, #tpu.memory_space<vmem>>, vector<1x1x16xf32>,
      %swap3A_123 = vector.shape_cast %swap3A_122 : vector<1x1x16xf32> to vector<16xf32>
      %swap3A_124 = vector.shape_cast %broadcast_in_dim3A_1 : vector<16xf32> to vector<1x1x16xf32>
      tpu.vector_store %arg8[%swap3A_119, %swap3A_120, %swap3A_121], %swap3A_124 {strides = array<i32>} : memref<3x80x128xf32, #tpu.memory_space<vmem>>, vector<1x1x16xf32>,
      %swap3A_125 = arith.constant 0 : i32
      %swap3A_126 = arith.index_cast %swap3A_125 : i32 to index
      %swap3A_127 = arith.index_cast %scan3A_76 : i32 to index
      %swap3A_128 = arith.constant 112 : index
      %swap3A_129 = tpu.vector_load %arg8[%swap3A_126, %swap3A_127, %swap3A_128] {strides = array<i32>} : memref<3x80x128xf32, #tpu.memory_space<vmem>>, vector<1x1x16xf32>,
      %swap3A_130 = vector.shape_cast %swap3A_129 : vector<1x1x16xf32> to vector<16xf32>
      %swap3A_131 = vector.shape_cast %broadcast_in_dim3A_1 : vector<16xf32> to vector<1x1x16xf32>
      tpu.vector_store %arg8[%swap3A_126, %swap3A_127, %swap3A_128], %swap3A_131 {strides = array<i32>} : memref<3x80x128xf32, #tpu.memory_space<vmem>>, vector<1x1x16xf32>,
    }
    %scan3A_6 = arith.constant 80 : i32
    %scan3A_7 = arith.constant 0 : i32
    %scan3A_8 = arith.constant 0 : i32
    %scan3A_9 = arith.constant 8 : i32
    %scan3A_10 = arith.addi %scan3A_8, %scan3A_9 : i32
    %scan3A_11 = arith.constant 1 : i32
    scf.for %scan3A_76 = %scan3A_8 to %scan3A_10 step %scan3A_11  : i32 {
      %mul3A_77 = arith.constant 640 : i32
      %mul3A_78 = arith.muli %arg1, %mul3A_77 : i32
      %mul3A_79 = arith.constant 80 : i32
      %mul3A_80 = arith.muli %scan3A_76, %mul3A_79 : i32
      %add3A_81 = arith.addi %mul3A_78, %mul3A_80 : i32
      %run_scoped3A_82 = arith.constant 0 : i32
      "tpu.region"() ({
        %run_scoped3A_83 = tpu.sem_alloc : memref<!tpu.dma_semaphore, #tpu.memory_space<semaphore_mem>>
        %dma_start3A_84 = arith.constant 0 : i32
        %dma_start3A_85 = arith.constant 0 : i32
        %dma_start3A_86 = tpu.memref_slice %arg8[%run_scoped3A_82, %dma_start3A_84, %dma_start3A_85] : memref<3x80x128xf32, #tpu.memory_space<vmem>> -> memref<1x80x128xf32, #tpu.memory_space<vmem>>
        %dma_start3A_87 = tpu.memref_squeeze %dma_start3A_86 : memref<1x80x128xf32, #tpu.memory_space<vmem>> -> memref<80x128xf32, #tpu.memory_space<vmem>>
        %dma_start3A_88 = arith.constant 0 : i32
        %dma_start3A_89 = tpu.memref_slice %arg9[%add3A_81, %dma_start3A_88] : memref<10240x128xf32, #tpu.memory_space<vmem_shared>> -> memref<80x128xf32, #tpu.memory_space<vmem_shared>>
        %dma_start3A_90 = arith.constant 0 : i32
        %dma_start3A_91 = tpu.memref_slice %arg9[%add3A_81, %dma_start3A_90] : memref<10240x128xf32, #tpu.memory_space<vmem_shared>> -> memref<80x128xf32, #tpu.memory_space<vmem_shared>>
        %dma_start3A_92 = arith.constant 0 : i32
        %dma_start3A_93 = arith.constant 0 : i32
        %dma_start3A_94 = tpu.memref_slice %arg8[%run_scoped3A_82, %dma_start3A_92, %dma_start3A_93] : memref<3x80x128xf32, #tpu.memory_space<vmem>> -> memref<1x80x128xf32, #tpu.memory_space<vmem>>
        %dma_start3A_95 = tpu.memref_squeeze %dma_start3A_94 : memref<1x80x128xf32, #tpu.memory_space<vmem>> -> memref<80x128xf32, #tpu.memory_space<vmem>>
        tpu.enqueue_dma source(%dma_start3A_95 : memref<80x128xf32, #tpu.memory_space<vmem>>) target(%dma_start3A_91 : memref<80x128xf32, #tpu.memory_space<vmem_shared>>) target_semaphore(%run_scoped3A_83 : memref<!tpu.dma_semaphore, #tpu.memory_space<semaphore_mem>>)
        %dma_wait3A_96 = arith.constant 0 : i32
        %dma_wait3A_97 = arith.constant 0 : i32
        %dma_wait3A_98 = tpu.memref_slice %arg8[%run_scoped3A_82, %dma_wait3A_96, %dma_wait3A_97] : memref<3x80x128xf32, #tpu.memory_space<vmem>> -> memref<1x80x128xf32, #tpu.memory_space<vmem>>
        %dma_wait3A_99 = tpu.memref_squeeze %dma_wait3A_98 : memref<1x80x128xf32, #tpu.memory_space<vmem>> -> memref<80x128xf32, #tpu.memory_space<vmem>>
        %dma_wait3A_100 = arith.constant 0 : i32
        %dma_wait3A_101 = tpu.memref_slice %arg9[%add3A_81, %dma_wait3A_100] : memref<10240x128xf32, #tpu.memory_space<vmem_shared>> -> memref<80x128xf32, #tpu.memory_space<vmem_shared>>
        %dma_wait3A_102 = arith.constant 0 : i32
        %dma_wait3A_103 = tpu.memref_slice %arg9[%add3A_81, %dma_wait3A_102] : memref<10240x128xf32, #tpu.memory_space<vmem_shared>> -> memref<80x128xf32, #tpu.memory_space<vmem_shared>>
        %dma_wait3A_104 = arith.constant 0 : i32
        %dma_wait3A_105 = arith.constant 0 : i32
        %dma_wait3A_106 = tpu.memref_slice %arg8[%run_scoped3A_82, %dma_wait3A_104, %dma_wait3A_105] : memref<3x80x128xf32, #tpu.memory_space<vmem>> -> memref<1x80x128xf32, #tpu.memory_space<vmem>>
        %dma_wait3A_107 = tpu.memref_squeeze %dma_wait3A_106 : memref<1x80x128xf32, #tpu.memory_space<vmem>> -> memref<80x128xf32, #tpu.memory_space<vmem>>
        tpu.wait_dma2 semaphore(%run_scoped3A_83 : memref<!tpu.dma_semaphore, #tpu.memory_space<semaphore_mem>>) src(%dma_wait3A_107 : memref<80x128xf32, #tpu.memory_space<vmem>>) dst(%dma_wait3A_103 : memref<80x128xf32, #tpu.memory_space<vmem_shared>>)
        tpu.yield
      }) : () -> ()
    }
    %scan3A_12 = arith.constant 8 : i32
    "tpu.region"() ({
      %run_scoped3A_76 = tpu.sem_alloc : memref<!tpu.dma_semaphore, #tpu.memory_space<semaphore_mem>>
      %dma_start3A_77 = arith.constant 0 : i32
      %dma_start3A_78 = arith.constant 0 : i32
      %dma_start3A_79 = tpu.memref_slice %arg4[%add3A, %dma_start3A_77, %dma_start3A_78] : memref<32x125x80xi32, #tpu.memory_space<hbm>> -> memref<1x125x80xi32, #tpu.memory_space<hbm>>
      %dma_start3A_80 = tpu.memref_squeeze %dma_start3A_79 : memref<1x125x80xi32, #tpu.memory_space<hbm>> -> memref<125x80xi32, #tpu.memory_space<hbm>>
      %dma_start3A_81 = arith.constant 0 : i32
      %dma_start3A_82 = arith.constant 0 : i32
      %dma_start3A_83 = tpu.memref_slice %arg4[%add3A, %dma_start3A_81, %dma_start3A_82] : memref<32x125x80xi32, #tpu.memory_space<hbm>> -> memref<1x125x80xi32, #tpu.memory_space<hbm>>
      %dma_start3A_84 = tpu.memref_squeeze %dma_start3A_83 : memref<1x125x80xi32, #tpu.memory_space<hbm>> -> memref<125x80xi32, #tpu.memory_space<hbm>>
      tpu.enqueue_dma source(%dma_start3A_84 : memref<125x80xi32, #tpu.memory_space<hbm>>) target(%arg7 : memref<125x80xi32, #tpu.memory_space<vmem>>) target_semaphore(%run_scoped3A_76 : memref<!tpu.dma_semaphore, #tpu.memory_space<semaphore_mem>>)
      %dma_wait3A_85 = arith.constant 0 : i32
      %dma_wait3A_86 = arith.constant 0 : i32
      %dma_wait3A_87 = tpu.memref_slice %arg4[%add3A, %dma_wait3A_85, %dma_wait3A_86] : memref<32x125x80xi32, #tpu.memory_space<hbm>> -> memref<1x125x80xi32, #tpu.memory_space<hbm>>
      %dma_wait3A_88 = tpu.memref_squeeze %dma_wait3A_87 : memref<1x125x80xi32, #tpu.memory_space<hbm>> -> memref<125x80xi32, #tpu.memory_space<hbm>>
      %dma_wait3A_89 = arith.constant 0 : i32
      %dma_wait3A_90 = arith.constant 0 : i32
      %dma_wait3A_91 = tpu.memref_slice %arg4[%add3A, %dma_wait3A_89, %dma_wait3A_90] : memref<32x125x80xi32, #tpu.memory_space<hbm>> -> memref<1x125x80xi32, #tpu.memory_space<hbm>>
      %dma_wait3A_92 = tpu.memref_squeeze %dma_wait3A_91 : memref<1x125x80xi32, #tpu.memory_space<hbm>> -> memref<125x80xi32, #tpu.memory_space<hbm>>
      tpu.wait_dma2 semaphore(%run_scoped3A_76 : memref<!tpu.dma_semaphore, #tpu.memory_space<semaphore_mem>>) src(%dma_wait3A_92 : memref<125x80xi32, #tpu.memory_space<hbm>>) dst(%arg7 : memref<125x80xi32, #tpu.memory_space<vmem>>)
      tpu.yield
    }) : () -> ()
    %barrier3A = arith.constant 0 : index
    tpu.barrier barrier_id(%barrier3A)
    %mul3A_13 = arith.constant 10000 : i32
    %mul3A_14 = arith.muli %add3A, %mul3A_13 : i32
    %run_scoped3A = arith.constant 0 : i32
    "tpu.region"() ({
      %run_scoped3A_76 = tpu.sem_alloc : memref<!tpu.dma_semaphore, #tpu.memory_space<semaphore_mem>>
      %dma_start3A_77 = arith.constant 0 : i32
      %dma_start3A_78 = tpu.memref_slice %arg6[%run_scoped3A, %dma_start3A_77] : memref<2x80xi32, #tpu.memory_space<vmem>> -> memref<1x80xi32, #tpu.memory_space<vmem>>
      %dma_start3A_79 = tpu.memref_squeeze %dma_start3A_78 : memref<1x80xi32, #tpu.memory_space<vmem>> -> memref<80xi32, #tpu.memory_space<vmem>>
      %dma_start3A_80 = tpu.memref_slice %arg3[%mul3A_14] : memref<320000xi32, #tpu.memory_space<hbm>> -> memref<80xi32, #tpu.memory_space<hbm>>
      %dma_start3A_81 = arith.constant 0 : i32
      %dma_start3A_82 = tpu.memref_slice %arg6[%run_scoped3A, %dma_start3A_81] : memref<2x80xi32, #tpu.memory_space<vmem>> -> memref<1x80xi32, #tpu.memory_space<vmem>>
      %dma_start3A_83 = tpu.memref_squeeze %dma_start3A_82 : memref<1x80xi32, #tpu.memory_space<vmem>> -> memref<80xi32, #tpu.memory_space<vmem>>
      %dma_start3A_84 = tpu.memref_slice %arg3[%mul3A_14] : memref<320000xi32, #tpu.memory_space<hbm>> -> memref<80xi32, #tpu.memory_space<hbm>>
      tpu.enqueue_dma source(%dma_start3A_84 : memref<80xi32, #tpu.memory_space<hbm>>) target(%dma_start3A_83 : memref<80xi32, #tpu.memory_space<vmem>>) target_semaphore(%run_scoped3A_76 : memref<!tpu.dma_semaphore, #tpu.memory_space<semaphore_mem>>)
      %dma_wait3A_85 = arith.constant 0 : i32
      %dma_wait3A_86 = tpu.memref_slice %arg6[%run_scoped3A, %dma_wait3A_85] : memref<2x80xi32, #tpu.memory_space<vmem>> -> memref<1x80xi32, #tpu.memory_space<vmem>>
      %dma_wait3A_87 = tpu.memref_squeeze %dma_wait3A_86 : memref<1x80xi32, #tpu.memory_space<vmem>> -> memref<80xi32, #tpu.memory_space<vmem>>
      %dma_wait3A_88 = tpu.memref_slice %arg3[%mul3A_14] : memref<320000xi32, #tpu.memory_space<hbm>> -> memref<80xi32, #tpu.memory_space<hbm>>
      %dma_wait3A_89 = arith.constant 0 : i32
      %dma_wait3A_90 = tpu.memref_slice %arg6[%run_scoped3A, %dma_wait3A_89] : memref<2x80xi32, #tpu.memory_space<vmem>> -> memref<1x80xi32, #tpu.memory_space<vmem>>
      %dma_wait3A_91 = tpu.memref_squeeze %dma_wait3A_90 : memref<1x80xi32, #tpu.memory_space<vmem>> -> memref<80xi32, #tpu.memory_space<vmem>>
      %dma_wait3A_92 = tpu.memref_slice %arg3[%mul3A_14] : memref<320000xi32, #tpu.memory_space<hbm>> -> memref<80xi32, #tpu.memory_space<hbm>>
      tpu.wait_dma2 semaphore(%run_scoped3A_76 : memref<!tpu.dma_semaphore, #tpu.memory_space<semaphore_mem>>) src(%dma_wait3A_92 : memref<80xi32, #tpu.memory_space<hbm>>) dst(%dma_wait3A_91 : memref<80xi32, #tpu.memory_space<vmem>>)
      tpu.yield
    }) : () -> ()
    %dma_start3A = arith.constant 0 : i32
    %dma_start3A_15 = arith.constant 0 : i32
    %dma_start3A_16 = arith.constant 0 : i32
    %dma_start3A_17 = arith.constant 0 : i32
    %dma_start3A_18 = tpu.memref_slice %arg8[%dma_start3A_15, %dma_start3A_16, %dma_start3A_17] : memref<3x80x128xf32, #tpu.memory_space<vmem>> -> memref<1x80x128xf32, #tpu.memory_space<vmem>>
    %dma_start3A_19 = tpu.memref_squeeze %dma_start3A_18 : memref<1x80x128xf32, #tpu.memory_space<vmem>> -> memref<80x128xf32, #tpu.memory_space<vmem>>
    %dma_start3A_20 = arith.constant 0 : i32
    %dma_start3A_21 = tpu.memref_slice %arg6[%dma_start3A, %dma_start3A_20] : memref<2x80xi32, #tpu.memory_space<vmem>> -> memref<1x80xi32, #tpu.memory_space<vmem>>
    %dma_start3A_22 = tpu.memref_squeeze %dma_start3A_21 : memref<1x80xi32, #tpu.memory_space<vmem>> -> memref<80xi32, #tpu.memory_space<vmem>>
    %dma_start3A_23 = arith.constant 0 : i32
    %dma_start3A_24 = arith.constant 0 : i32
    %dma_start3A_25 = tpu.memref_slice %arg2[%dma_start3A_23, %dma_start3A_24] : memref<10000x128xf32, #tpu.memory_space<hbm>> -> memref<10000x128xf32, #tpu.memory_space<hbm>>
    tpu.enqueue_indirect_dma source(%dma_start3A_25 : memref<10000x128xf32, #tpu.memory_space<hbm>>) target(%dma_start3A_19 : memref<80x128xf32, #tpu.memory_space<vmem>>) offsets(%dma_start3A_22 : memref<80xi32, #tpu.memory_space<vmem>>) semaphore(%arg10 : memref<!tpu.dma_semaphore, #tpu.memory_space<semaphore_mem>>)
    %add3A_26 = arith.constant 80 : i32
    %add3A_27 = arith.addi %mul3A_14, %add3A_26 : i32
    %dma_start3A_28 = arith.constant 1 : i32
    %dma_start3A_29 = arith.constant 0 : i32
    %dma_start3A_30 = tpu.memref_slice %arg6[%dma_start3A_28, %dma_start3A_29] : memref<2x80xi32, #tpu.memory_space<vmem>> -> memref<1x80xi32, #tpu.memory_space<vmem>>
    %dma_start3A_31 = tpu.memref_squeeze %dma_start3A_30 : memref<1x80xi32, #tpu.memory_space<vmem>> -> memref<80xi32, #tpu.memory_space<vmem>>
    %dma_start3A_32 = tpu.memref_slice %arg3[%add3A_27] : memref<320000xi32, #tpu.memory_space<hbm>> -> memref<80xi32, #tpu.memory_space<hbm>>
    %dma_start3A_33 = arith.constant 0 : i32
    %dma_start3A_34 = tpu.memref_slice %arg6[%dma_start3A_28, %dma_start3A_33] : memref<2x80xi32, #tpu.memory_space<vmem>> -> memref<1x80xi32, #tpu.memory_space<vmem>>
    %dma_start3A_35 = tpu.memref_squeeze %dma_start3A_34 : memref<1x80xi32, #tpu.memory_space<vmem>> -> memref<80xi32, #tpu.memory_space<vmem>>
    %dma_start3A_36 = tpu.memref_slice %arg3[%add3A_27] : memref<320000xi32, #tpu.memory_space<hbm>> -> memref<80xi32, #tpu.memory_space<hbm>>
    tpu.enqueue_dma source(%dma_start3A_36 : memref<80xi32, #tpu.memory_space<hbm>>) target(%dma_start3A_35 : memref<80xi32, #tpu.memory_space<vmem>>) target_semaphore(%arg11 : memref<!tpu.dma_semaphore, #tpu.memory_space<semaphore_mem>>)
    %scan3A_37 = arith.constant 0 : i32
    %scan3A_38 = arith.constant 0 : i32
    %scan3A_39 = arith.constant 125 : i32
    %scan3A_40 = arith.addi %scan3A_38, %scan3A_39 : i32
    %scan3A_41 = arith.constant 1 : i32
    scf.for %scan3A_76 = %scan3A_38 to %scan3A_40 step %scan3A_41  : i32 {
      %ge3A = arith.constant 2 : i32
      %ge3A_77 = arith.cmpi sge, %scan3A_76, %ge3A : i32
      %convert_element_type3A = arith.extui %ge3A_77 : i1 to i32
      %cond3A = arith.constant 0 : i32
      %cond3A_78 = arith.cmpi ne, %convert_element_type3A, %cond3A : i32
      scf.if %cond3A_78 {
        %add3A_249 = arith.constant 1 : i32
        %add3A_250 = arith.addi %scan3A_76, %add3A_249 : i32
        %jit3A_251 = arith.constant 3 : i32
        %eq3A_252 = arith.constant 0 : i32
        %eq3A_253 = arith.cmpi eq, %jit3A_251, %eq3A_252 : i32
        %jit3A_254 = arith.constant 1 : i32
        %select_n3A_255 = arith.select %eq3A_253, %jit3A_254, %jit3A_251 : i32
        %rem3A_256 = arith.remsi %add3A_250, %select_n3A_255 : i32
        %ne3A_257 = arith.constant 0 : i32
        %ne3A_258 = arith.cmpi ne, %rem3A_256, %ne3A_257 : i32
        %lt3A_259 = arith.constant 0 : i32
        %lt3A_260 = arith.cmpi slt, %rem3A_256, %lt3A_259 : i32
        %lt3A_261 = arith.constant 0 : i32
        %lt3A_262 = arith.cmpi slt, %select_n3A_255, %lt3A_261 : i32
        %ne3A_263 = arith.xori %lt3A_260, %lt3A_262 : i1
        %and3A_264 = arith.andi %ne3A_263, %ne3A_258 : i1
        %add3A_265 = arith.addi %rem3A_256, %select_n3A_255 : i32
        %select_n3A_266 = arith.select %and3A_264, %add3A_265, %rem3A_256 : i32
        %sub3A = arith.constant 2 : i32
        %sub3A_267 = arith.subi %scan3A_76, %sub3A : i32
        %max3A = arith.constant 0 : i32
        %max3A_268 = arith.maxsi %sub3A_267, %max3A : i32
        %dma_wait3A_269 = arith.constant 0 : i32
        %dma_wait3A_270 = arith.constant 0 : i32
        %dma_wait3A_271 = tpu.memref_slice %arg8[%select_n3A_266, %dma_wait3A_269, %dma_wait3A_270] : memref<3x80x128xf32, #tpu.memory_space<vmem>> -> memref<1x80x128xf32, #tpu.memory_space<vmem>>
        %dma_wait3A_272 = tpu.memref_squeeze %dma_wait3A_271 : memref<1x80x128xf32, #tpu.memory_space<vmem>> -> memref<80x128xf32, #tpu.memory_space<vmem>>
        %dma_wait3A_273 = arith.constant 0 : i32
        %dma_wait3A_274 = tpu.memref_slice %arg7[%max3A_268, %dma_wait3A_273] : memref<125x80xi32, #tpu.memory_space<vmem>> -> memref<1x80xi32, #tpu.memory_space<vmem>>
        %dma_wait3A_275 = tpu.memref_squeeze %dma_wait3A_274 : memref<1x80xi32, #tpu.memory_space<vmem>> -> memref<80xi32, #tpu.memory_space<vmem>>
        %dma_wait3A_276 = arith.constant 0 : i32
        %dma_wait3A_277 = arith.constant 0 : i32
        %dma_wait3A_278 = tpu.memref_slice %arg9[%dma_wait3A_276, %dma_wait3A_277] : memref<10240x128xf32, #tpu.memory_space<vmem_shared>> -> memref<10240x128xf32, #tpu.memory_space<vmem_shared>>
        tpu.wait_indirect_dma semaphore(%arg12 : memref<!tpu.dma_semaphore, #tpu.memory_space<semaphore_mem>>) src(%dma_wait3A_272 : memref<80x128xf32, #tpu.memory_space<vmem>>) dst(%dma_wait3A_278 : memref<10240x128xf32, #tpu.memory_space<vmem_shared>>)
      } else {
      }
      %add3A_79 = arith.constant 1 : i32
      %add3A_80 = arith.addi %scan3A_76, %add3A_79 : i32
      %min3A = arith.constant 124 : i32
      %min3A_81 = arith.minsi %add3A_80, %min3A : i32
      %mul3A_82 = arith.constant 80 : i32
      %mul3A_83 = arith.muli %min3A_81, %mul3A_82 : i32
      %add3A_84 = arith.addi %mul3A_14, %mul3A_83 : i32
      %add3A_85 = arith.constant 1 : i32
      %add3A_86 = arith.addi %scan3A_76, %add3A_85 : i32
      %jit3A = arith.constant 2 : i32
      %eq3A = arith.constant 0 : i32
      %eq3A_87 = arith.cmpi eq, %jit3A, %eq3A : i32
      %jit3A_88 = arith.constant 1 : i32
      %select_n3A = arith.select %eq3A_87, %jit3A_88, %jit3A : i32
      %rem3A = arith.remsi %add3A_86, %select_n3A : i32
      %ne3A = arith.constant 0 : i32
      %ne3A_89 = arith.cmpi ne, %rem3A, %ne3A : i32
      %lt3A = arith.constant 0 : i32
      %lt3A_90 = arith.cmpi slt, %rem3A, %lt3A : i32
      %lt3A_91 = arith.constant 0 : i32
      %lt3A_92 = arith.cmpi slt, %select_n3A, %lt3A_91 : i32
      %ne3A_93 = arith.xori %lt3A_90, %lt3A_92 : i1
      %and3A = arith.andi %ne3A_93, %ne3A_89 : i1
      %add3A_94 = arith.addi %rem3A, %select_n3A : i32
      %select_n3A_95 = arith.select %and3A, %add3A_94, %rem3A : i32
      %dma_wait3A_96 = arith.constant 0 : i32
      %dma_wait3A_97 = tpu.memref_slice %arg6[%select_n3A_95, %dma_wait3A_96] : memref<2x80xi32, #tpu.memory_space<vmem>> -> memref<1x80xi32, #tpu.memory_space<vmem>>
      %dma_wait3A_98 = tpu.memref_squeeze %dma_wait3A_97 : memref<1x80xi32, #tpu.memory_space<vmem>> -> memref<80xi32, #tpu.memory_space<vmem>>
      %dma_wait3A_99 = tpu.memref_slice %arg3[%add3A_84] : memref<320000xi32, #tpu.memory_space<hbm>> -> memref<80xi32, #tpu.memory_space<hbm>>
      %dma_wait3A_100 = arith.constant 0 : i32
      %dma_wait3A_101 = tpu.memref_slice %arg6[%select_n3A_95, %dma_wait3A_100] : memref<2x80xi32, #tpu.memory_space<vmem>> -> memref<1x80xi32, #tpu.memory_space<vmem>>
      %dma_wait3A_102 = tpu.memref_squeeze %dma_wait3A_101 : memref<1x80xi32, #tpu.memory_space<vmem>> -> memref<80xi32, #tpu.memory_space<vmem>>
      %dma_wait3A_103 = tpu.memref_slice %arg3[%add3A_84] : memref<320000xi32, #tpu.memory_space<hbm>> -> memref<80xi32, #tpu.memory_space<hbm>>
      tpu.wait_dma2 semaphore(%arg11 : memref<!tpu.dma_semaphore, #tpu.memory_space<semaphore_mem>>) src(%dma_wait3A_103 : memref<80xi32, #tpu.memory_space<hbm>>) dst(%dma_wait3A_102 : memref<80xi32, #tpu.memory_space<vmem>>)
      %add3A_104 = arith.constant 1 : i32
      %add3A_105 = arith.addi %scan3A_76, %add3A_104 : i32
      %jit3A_106 = arith.constant 2 : i32
      %eq3A_107 = arith.constant 0 : i32
      %eq3A_108 = arith.cmpi eq, %jit3A_106, %eq3A_107 : i32
      %jit3A_109 = arith.constant 1 : i32
      %select_n3A_110 = arith.select %eq3A_108, %jit3A_109, %jit3A_106 : i32
      %rem3A_111 = arith.remsi %add3A_105, %select_n3A_110 : i32
      %ne3A_112 = arith.constant 0 : i32
      %ne3A_113 = arith.cmpi ne, %rem3A_111, %ne3A_112 : i32
      %lt3A_114 = arith.constant 0 : i32
      %lt3A_115 = arith.cmpi slt, %rem3A_111, %lt3A_114 : i32
      %lt3A_116 = arith.constant 0 : i32
      %lt3A_117 = arith.cmpi slt, %select_n3A_110, %lt3A_116 : i32
      %ne3A_118 = arith.xori %lt3A_115, %lt3A_117 : i1
      %and3A_119 = arith.andi %ne3A_118, %ne3A_113 : i1
      %add3A_120 = arith.addi %rem3A_111, %select_n3A_110 : i32
      %select_n3A_121 = arith.select %and3A_119, %add3A_120, %rem3A_111 : i32
      %add3A_122 = arith.constant 1 : i32
      %add3A_123 = arith.addi %scan3A_76, %add3A_122 : i32
      %jit3A_124 = arith.constant 3 : i32
      %eq3A_125 = arith.constant 0 : i32
      %eq3A_126 = arith.cmpi eq, %jit3A_124, %eq3A_125 : i32
      %jit3A_127 = arith.constant 1 : i32
      %select_n3A_128 = arith.select %eq3A_126, %jit3A_127, %jit3A_124 : i32
      %rem3A_129 = arith.remsi %add3A_123, %select_n3A_128 : i32
      %ne3A_130 = arith.constant 0 : i32
      %ne3A_131 = arith.cmpi ne, %rem3A_129, %ne3A_130 : i32
      %lt3A_132 = arith.constant 0 : i32
      %lt3A_133 = arith.cmpi slt, %rem3A_129, %lt3A_132 : i32
      %lt3A_134 = arith.constant 0 : i32
      %lt3A_135 = arith.cmpi slt, %select_n3A_128, %lt3A_134 : i32
      %ne3A_136 = arith.xori %lt3A_133, %lt3A_135 : i1
      %and3A_137 = arith.andi %ne3A_136, %ne3A_131 : i1
      %add3A_138 = arith.addi %rem3A_129, %select_n3A_128 : i32
      %select_n3A_139 = arith.select %and3A_137, %add3A_138, %rem3A_129 : i32
      %dma_start3A_140 = arith.constant 0 : i32
      %dma_start3A_141 = arith.constant 0 : i32
      %dma_start3A_142 = tpu.memref_slice %arg8[%select_n3A_139, %dma_start3A_140, %dma_start3A_141] : memref<3x80x128xf32, #tpu.memory_space<vmem>> -> memref<1x80x128xf32, #tpu.memory_space<vmem>>
      %dma_start3A_143 = tpu.memref_squeeze %dma_start3A_142 : memref<1x80x128xf32, #tpu.memory_space<vmem>> -> memref<80x128xf32, #tpu.memory_space<vmem>>
      %dma_start3A_144 = arith.constant 0 : i32
      %dma_start3A_145 = tpu.memref_slice %arg6[%select_n3A_121, %dma_start3A_144] : memref<2x80xi32, #tpu.memory_space<vmem>> -> memref<1x80xi32, #tpu.memory_space<vmem>>
      %dma_start3A_146 = tpu.memref_squeeze %dma_start3A_145 : memref<1x80xi32, #tpu.memory_space<vmem>> -> memref<80xi32, #tpu.memory_space<vmem>>
      %dma_start3A_147 = arith.constant 0 : i32
      %dma_start3A_148 = arith.constant 0 : i32
      %dma_start3A_149 = tpu.memref_slice %arg2[%dma_start3A_147, %dma_start3A_148] : memref<10000x128xf32, #tpu.memory_space<hbm>> -> memref<10000x128xf32, #tpu.memory_space<hbm>>
      tpu.enqueue_indirect_dma source(%dma_start3A_149 : memref<10000x128xf32, #tpu.memory_space<hbm>>) target(%dma_start3A_143 : memref<80x128xf32, #tpu.memory_space<vmem>>) offsets(%dma_start3A_146 : memref<80xi32, #tpu.memory_space<vmem>>) semaphore(%arg10 : memref<!tpu.dma_semaphore, #tpu.memory_space<semaphore_mem>>)
      %jit3A_150 = arith.constant 2 : i32
      %eq3A_151 = arith.constant 0 : i32
      %eq3A_152 = arith.cmpi eq, %jit3A_150, %eq3A_151 : i32
      %jit3A_153 = arith.constant 1 : i32
      %select_n3A_154 = arith.select %eq3A_152, %jit3A_153, %jit3A_150 : i32
      %rem3A_155 = arith.remsi %scan3A_76, %select_n3A_154 : i32
      %ne3A_156 = arith.constant 0 : i32
      %ne3A_157 = arith.cmpi ne, %rem3A_155, %ne3A_156 : i32
      %lt3A_158 = arith.constant 0 : i32
      %lt3A_159 = arith.cmpi slt, %rem3A_155, %lt3A_158 : i32
      %lt3A_160 = arith.constant 0 : i32
      %lt3A_161 = arith.cmpi slt, %select_n3A_154, %lt3A_160 : i32
      %ne3A_162 = arith.xori %lt3A_159, %lt3A_161 : i1
      %and3A_163 = arith.andi %ne3A_162, %ne3A_157 : i1
      %add3A_164 = arith.addi %rem3A_155, %select_n3A_154 : i32
      %select_n3A_165 = arith.select %and3A_163, %add3A_164, %rem3A_155 : i32
      %jit3A_166 = arith.constant 3 : i32
      %eq3A_167 = arith.constant 0 : i32
      %eq3A_168 = arith.cmpi eq, %jit3A_166, %eq3A_167 : i32
      %jit3A_169 = arith.constant 1 : i32
      %select_n3A_170 = arith.select %eq3A_168, %jit3A_169, %jit3A_166 : i32
      %rem3A_171 = arith.remsi %scan3A_76, %select_n3A_170 : i32
      %ne3A_172 = arith.constant 0 : i32
      %ne3A_173 = arith.cmpi ne, %rem3A_171, %ne3A_172 : i32
      %lt3A_174 = arith.constant 0 : i32
      %lt3A_175 = arith.cmpi slt, %rem3A_171, %lt3A_174 : i32
      %lt3A_176 = arith.constant 0 : i32
      %lt3A_177 = arith.cmpi slt, %select_n3A_170, %lt3A_176 : i32
      %ne3A_178 = arith.xori %lt3A_175, %lt3A_177 : i1
      %and3A_179 = arith.andi %ne3A_178, %ne3A_173 : i1
      %add3A_180 = arith.addi %rem3A_171, %select_n3A_170 : i32
      %select_n3A_181 = arith.select %and3A_179, %add3A_180, %rem3A_171 : i32
      %dma_wait3A_182 = arith.constant 0 : i32
      %dma_wait3A_183 = arith.constant 0 : i32
      %dma_wait3A_184 = tpu.memref_slice %arg8[%select_n3A_181, %dma_wait3A_182, %dma_wait3A_183] : memref<3x80x128xf32, #tpu.memory_space<vmem>> -> memref<1x80x128xf32, #tpu.memory_space<vmem>>
      %dma_wait3A_185 = tpu.memref_squeeze %dma_wait3A_184 : memref<1x80x128xf32, #tpu.memory_space<vmem>> -> memref<80x128xf32, #tpu.memory_space<vmem>>
      %dma_wait3A_186 = arith.constant 0 : i32
      %dma_wait3A_187 = tpu.memref_slice %arg6[%select_n3A_165, %dma_wait3A_186] : memref<2x80xi32, #tpu.memory_space<vmem>> -> memref<1x80xi32, #tpu.memory_space<vmem>>
      %dma_wait3A_188 = tpu.memref_squeeze %dma_wait3A_187 : memref<1x80xi32, #tpu.memory_space<vmem>> -> memref<80xi32, #tpu.memory_space<vmem>>
      %dma_wait3A_189 = arith.constant 0 : i32
      %dma_wait3A_190 = arith.constant 0 : i32
      %dma_wait3A_191 = tpu.memref_slice %arg2[%dma_wait3A_189, %dma_wait3A_190] : memref<10000x128xf32, #tpu.memory_space<hbm>> -> memref<10000x128xf32, #tpu.memory_space<hbm>>
      tpu.wait_indirect_dma semaphore(%arg10 : memref<!tpu.dma_semaphore, #tpu.memory_space<semaphore_mem>>) src(%dma_wait3A_191 : memref<10000x128xf32, #tpu.memory_space<hbm>>) dst(%dma_wait3A_185 : memref<80x128xf32, #tpu.memory_space<vmem>>)
      %add3A_192 = arith.constant 2 : i32
      %add3A_193 = arith.addi %scan3A_76, %add3A_192 : i32
      %min3A_194 = arith.constant 124 : i32
      %min3A_195 = arith.minsi %add3A_193, %min3A_194 : i32
      %mul3A_196 = arith.constant 80 : i32
      %mul3A_197 = arith.muli %min3A_195, %mul3A_196 : i32
      %add3A_198 = arith.addi %mul3A_14, %mul3A_197 : i32
      %jit3A_199 = arith.constant 2 : i32
      %eq3A_200 = arith.constant 0 : i32
      %eq3A_201 = arith.cmpi eq, %jit3A_199, %eq3A_200 : i32
      %jit3A_202 = arith.constant 1 : i32
      %select_n3A_203 = arith.select %eq3A_201, %jit3A_202, %jit3A_199 : i32
      %rem3A_204 = arith.remsi %scan3A_76, %select_n3A_203 : i32
      %ne3A_205 = arith.constant 0 : i32
      %ne3A_206 = arith.cmpi ne, %rem3A_204, %ne3A_205 : i32
      %lt3A_207 = arith.constant 0 : i32
      %lt3A_208 = arith.cmpi slt, %rem3A_204, %lt3A_207 : i32
      %lt3A_209 = arith.constant 0 : i32
      %lt3A_210 = arith.cmpi slt, %select_n3A_203, %lt3A_209 : i32
      %ne3A_211 = arith.xori %lt3A_208, %lt3A_210 : i1
      %and3A_212 = arith.andi %ne3A_211, %ne3A_206 : i1
      %add3A_213 = arith.addi %rem3A_204, %select_n3A_203 : i32
      %select_n3A_214 = arith.select %and3A_212, %add3A_213, %rem3A_204 : i32
      %dma_start3A_215 = arith.constant 0 : i32
      %dma_start3A_216 = tpu.memref_slice %arg6[%select_n3A_214, %dma_start3A_215] : memref<2x80xi32, #tpu.memory_space<vmem>> -> memref<1x80xi32, #tpu.memory_space<vmem>>
      %dma_start3A_217 = tpu.memref_squeeze %dma_start3A_216 : memref<1x80xi32, #tpu.memory_space<vmem>> -> memref<80xi32, #tpu.memory_space<vmem>>
      %dma_start3A_218 = tpu.memref_slice %arg3[%add3A_198] : memref<320000xi32, #tpu.memory_space<hbm>> -> memref<80xi32, #tpu.memory_space<hbm>>
      %dma_start3A_219 = arith.constant 0 : i32
      %dma_start3A_220 = tpu.memref_slice %arg6[%select_n3A_214, %dma_start3A_219] : memref<2x80xi32, #tpu.memory_space<vmem>> -> memref<1x80xi32, #tpu.memory_space<vmem>>
      %dma_start3A_221 = tpu.memref_squeeze %dma_start3A_220 : memref<1x80xi32, #tpu.memory_space<vmem>> -> memref<80xi32, #tpu.memory_space<vmem>>
      %dma_start3A_222 = tpu.memref_slice %arg3[%add3A_198] : memref<320000xi32, #tpu.memory_space<hbm>> -> memref<80xi32, #tpu.memory_space<hbm>>
      tpu.enqueue_dma source(%dma_start3A_222 : memref<80xi32, #tpu.memory_space<hbm>>) target(%dma_start3A_221 : memref<80xi32, #tpu.memory_space<vmem>>) target_semaphore(%arg11 : memref<!tpu.dma_semaphore, #tpu.memory_space<semaphore_mem>>)
      %jit3A_223 = arith.constant 3 : i32
      %eq3A_224 = arith.constant 0 : i32
      %eq3A_225 = arith.cmpi eq, %jit3A_223, %eq3A_224 : i32
      %jit3A_226 = arith.constant 1 : i32
      %select_n3A_227 = arith.select %eq3A_225, %jit3A_226, %jit3A_223 : i32
      %rem3A_228 = arith.remsi %scan3A_76, %select_n3A_227 : i32
      %ne3A_229 = arith.constant 0 : i32
      %ne3A_230 = arith.cmpi ne, %rem3A_228, %ne3A_229 : i32
      %lt3A_231 = arith.constant 0 : i32
      %lt3A_232 = arith.cmpi slt, %rem3A_228, %lt3A_231 : i32
      %lt3A_233 = arith.constant 0 : i32
      %lt3A_234 = arith.cmpi slt, %select_n3A_227, %lt3A_233 : i32
      %ne3A_235 = arith.xori %lt3A_232, %lt3A_234 : i1
      %and3A_236 = arith.andi %ne3A_235, %ne3A_230 : i1
      %add3A_237 = arith.addi %rem3A_228, %select_n3A_227 : i32
      %select_n3A_238 = arith.select %and3A_236, %add3A_237, %rem3A_228 : i32
      %dma_start3A_239 = arith.constant 0 : i32
      %dma_start3A_240 = arith.constant 0 : i32
      %dma_start3A_241 = tpu.memref_slice %arg8[%select_n3A_238, %dma_start3A_239, %dma_start3A_240] : memref<3x80x128xf32, #tpu.memory_space<vmem>> -> memref<1x80x128xf32, #tpu.memory_space<vmem>>
      %dma_start3A_242 = tpu.memref_squeeze %dma_start3A_241 : memref<1x80x128xf32, #tpu.memory_space<vmem>> -> memref<80x128xf32, #tpu.memory_space<vmem>>
      %dma_start3A_243 = arith.constant 0 : i32
      %dma_start3A_244 = tpu.memref_slice %arg7[%scan3A_76, %dma_start3A_243] : memref<125x80xi32, #tpu.memory_space<vmem>> -> memref<1x80xi32, #tpu.memory_space<vmem>>
      %dma_start3A_245 = tpu.memref_squeeze %dma_start3A_244 : memref<1x80xi32, #tpu.memory_space<vmem>> -> memref<80xi32, #tpu.memory_space<vmem>>
      %dma_start3A_246 = arith.constant 0 : i32
      %dma_start3A_247 = arith.constant 0 : i32
      %dma_start3A_248 = tpu.memref_slice %arg9[%dma_start3A_246, %dma_start3A_247] : memref<10240x128xf32, #tpu.memory_space<vmem_shared>> -> memref<10240x128xf32, #tpu.memory_space<vmem_shared>>
      tpu.enqueue_indirect_dma source(%dma_start3A_242 : memref<80x128xf32, #tpu.memory_space<vmem>>) target(%dma_start3A_248 : memref<10240x128xf32, #tpu.memory_space<vmem_shared>>) offsets(%dma_start3A_245 : memref<80xi32, #tpu.memory_space<vmem>>) semaphore(%arg12 : memref<!tpu.dma_semaphore, #tpu.memory_space<semaphore_mem>>) {add = true}
    }
    %scan3A_42 = arith.constant 125 : i32
    %dma_wait3A = arith.constant 1 : i32
    %dma_wait3A_43 = arith.constant 2 : i32
    %dma_wait3A_44 = arith.constant 0 : i32
    %dma_wait3A_45 = arith.constant 0 : i32
    %dma_wait3A_46 = tpu.memref_slice %arg8[%dma_wait3A_43, %dma_wait3A_44, %dma_wait3A_45] : memref<3x80x128xf32, #tpu.memory_space<vmem>> -> memref<1x80x128xf32, #tpu.memory_space<vmem>>
    %dma_wait3A_47 = tpu.memref_squeeze %dma_wait3A_46 : memref<1x80x128xf32, #tpu.memory_space<vmem>> -> memref<80x128xf32, #tpu.memory_space<vmem>>
    %dma_wait3A_48 = arith.constant 0 : i32
    %dma_wait3A_49 = tpu.memref_slice %arg6[%dma_wait3A, %dma_wait3A_48] : memref<2x80xi32, #tpu.memory_space<vmem>> -> memref<1x80xi32, #tpu.memory_space<vmem>>
    %dma_wait3A_50 = tpu.memref_squeeze %dma_wait3A_49 : memref<1x80xi32, #tpu.memory_space<vmem>> -> memref<80xi32, #tpu.memory_space<vmem>>
    %dma_wait3A_51 = arith.constant 0 : i32
    %dma_wait3A_52 = arith.constant 0 : i32
    %dma_wait3A_53 = tpu.memref_slice %arg2[%dma_wait3A_51, %dma_wait3A_52] : memref<10000x128xf32, #tpu.memory_space<hbm>> -> memref<10000x128xf32, #tpu.memory_space<hbm>>
    tpu.wait_indirect_dma semaphore(%arg10 : memref<!tpu.dma_semaphore, #tpu.memory_space<semaphore_mem>>) src(%dma_wait3A_53 : memref<10000x128xf32, #tpu.memory_space<hbm>>) dst(%dma_wait3A_47 : memref<80x128xf32, #tpu.memory_space<vmem>>)
    %add3A_54 = arith.constant 9920 : i32
    %add3A_55 = arith.addi %mul3A_14, %add3A_54 : i32
    %dma_wait3A_56 = arith.constant 0 : i32
    %dma_wait3A_57 = arith.constant 0 : i32
    %dma_wait3A_58 = tpu.memref_slice %arg6[%dma_wait3A_56, %dma_wait3A_57] : memref<2x80xi32, #tpu.memory_space<vmem>> -> memref<1x80xi32, #tpu.memory_space<vmem>>
    %dma_wait3A_59 = tpu.memref_squeeze %dma_wait3A_58 : memref<1x80xi32, #tpu.memory_space<vmem>> -> memref<80xi32, #tpu.memory_space<vmem>>
    %dma_wait3A_60 = tpu.memref_slice %arg3[%add3A_55] : memref<320000xi32, #tpu.memory_space<hbm>> -> memref<80xi32, #tpu.memory_space<hbm>>
    %dma_wait3A_61 = arith.constant 0 : i32
    %dma_wait3A_62 = tpu.memref_slice %arg6[%dma_wait3A_56, %dma_wait3A_61] : memref<2x80xi32, #tpu.memory_space<vmem>> -> memref<1x80xi32, #tpu.memory_space<vmem>>
    %dma_wait3A_63 = tpu.memref_squeeze %dma_wait3A_62 : memref<1x80xi32, #tpu.memory_space<vmem>> -> memref<80xi32, #tpu.memory_space<vmem>>
    %dma_wait3A_64 = tpu.memref_slice %arg3[%add3A_55] : memref<320000xi32, #tpu.memory_space<hbm>> -> memref<80xi32, #tpu.memory_space<hbm>>
    tpu.wait_dma2 semaphore(%arg11 : memref<!tpu.dma_semaphore, #tpu.memory_space<semaphore_mem>>) src(%dma_wait3A_64 : memref<80xi32, #tpu.memory_space<hbm>>) dst(%dma_wait3A_63 : memref<80xi32, #tpu.memory_space<vmem>>)
    %scan3A_65 = arith.constant 0 : i32
    %scan3A_66 = arith.constant 123 : i32
    %scan3A_67 = arith.constant 2 : i32
    %scan3A_68 = arith.addi %scan3A_66, %scan3A_67 : i32
    %scan3A_69 = arith.constant 1 : i32
    scf.for %scan3A_76 = %scan3A_66 to %scan3A_68 step %scan3A_69  : i32 {
      %jit3A = arith.constant 3 : i32
      %eq3A = arith.constant 0 : i32
      %eq3A_77 = arith.cmpi eq, %jit3A, %eq3A : i32
      %jit3A_78 = arith.constant 1 : i32
      %select_n3A = arith.select %eq3A_77, %jit3A_78, %jit3A : i32
      %rem3A = arith.remsi %scan3A_76, %select_n3A : i32
      %ne3A = arith.constant 0 : i32
      %ne3A_79 = arith.cmpi ne, %rem3A, %ne3A : i32
      %lt3A = arith.constant 0 : i32
      %lt3A_80 = arith.cmpi slt, %rem3A, %lt3A : i32
      %lt3A_81 = arith.constant 0 : i32
      %lt3A_82 = arith.cmpi slt, %select_n3A, %lt3A_81 : i32
      %ne3A_83 = arith.xori %lt3A_80, %lt3A_82 : i1
      %and3A = arith.andi %ne3A_83, %ne3A_79 : i1
      %add3A_84 = arith.addi %rem3A, %select_n3A : i32
      %select_n3A_85 = arith.select %and3A, %add3A_84, %rem3A : i32
      %dma_wait3A_86 = arith.constant 0 : i32
      %dma_wait3A_87 = arith.constant 0 : i32
      %dma_wait3A_88 = tpu.memref_slice %arg8[%select_n3A_85, %dma_wait3A_86, %dma_wait3A_87] : memref<3x80x128xf32, #tpu.memory_space<vmem>> -> memref<1x80x128xf32, #tpu.memory_space<vmem>>
      %dma_wait3A_89 = tpu.memref_squeeze %dma_wait3A_88 : memref<1x80x128xf32, #tpu.memory_space<vmem>> -> memref<80x128xf32, #tpu.memory_space<vmem>>
      %dma_wait3A_90 = arith.constant 0 : i32
      %dma_wait3A_91 = tpu.memref_slice %arg7[%scan3A_76, %dma_wait3A_90] : memref<125x80xi32, #tpu.memory_space<vmem>> -> memref<1x80xi32, #tpu.memory_space<vmem>>
      %dma_wait3A_92 = tpu.memref_squeeze %dma_wait3A_91 : memref<1x80xi32, #tpu.memory_space<vmem>> -> memref<80xi32, #tpu.memory_space<vmem>>
      %dma_wait3A_93 = arith.constant 0 : i32
      %dma_wait3A_94 = arith.constant 0 : i32
      %dma_wait3A_95 = tpu.memref_slice %arg9[%dma_wait3A_93, %dma_wait3A_94] : memref<10240x128xf32, #tpu.memory_space<vmem_shared>> -> memref<10240x128xf32, #tpu.memory_space<vmem_shared>>
      tpu.wait_indirect_dma semaphore(%arg12 : memref<!tpu.dma_semaphore, #tpu.memory_space<semaphore_mem>>) src(%dma_wait3A_89 : memref<80x128xf32, #tpu.memory_space<vmem>>) dst(%dma_wait3A_95 : memref<10240x128xf32, #tpu.memory_space<vmem_shared>>)
    }
    %scan3A_70 = arith.constant 2 : i32
    %barrier3A_71 = arith.constant 0 : index
    tpu.barrier barrier_id(%barrier3A_71)
    %mul3A_72 = arith.constant 640 : i32
    %mul3A_73 = arith.muli %arg1, %mul3A_72 : i32
    %mul3A_74 = arith.constant 640 : i32
    %mul3A_75 = arith.muli %arg1, %mul3A_74 : i32
    "tpu.region"() ({
      %run_scoped3A_76 = tpu.sem_alloc : memref<!tpu.dma_semaphore, #tpu.memory_space<semaphore_mem>>
      %dma_start3A_77 = arith.constant 0 : i32
      %dma_start3A_78 = arith.constant 0 : i32
      %dma_start3A_79 = tpu.memref_slice %arg5[%arg0, %dma_start3A_77, %dma_start3A_78] : memref<2x10240x128xf32, #tpu.memory_space<hbm>> -> memref<1x10240x128xf32, #tpu.memory_space<hbm>>
      %dma_start3A_80 = tpu.memref_squeeze %dma_start3A_79 : memref<1x10240x128xf32, #tpu.memory_space<hbm>> -> memref<10240x128xf32, #tpu.memory_space<hbm>>
      %dma_start3A_81 = arith.constant 0 : i32
      %dma_start3A_82 = tpu.memref_slice %dma_start3A_80[%mul3A_75, %dma_start3A_81] : memref<10240x128xf32, #tpu.memory_space<hbm>> -> memref<640x128xf32, #tpu.memory_space<hbm>>
      %dma_start3A_83 = arith.constant 0 : i32
      %dma_start3A_84 = tpu.memref_slice %arg9[%mul3A_73, %dma_start3A_83] : memref<10240x128xf32, #tpu.memory_space<vmem_shared>> -> memref<640x128xf32, #tpu.memory_space<vmem_shared>>
      tpu.enqueue_dma source(%dma_start3A_84 : memref<640x128xf32, #tpu.memory_space<vmem_shared>>) target(%dma_start3A_82 : memref<640x128xf32, #tpu.memory_space<hbm>>) target_semaphore(%run_scoped3A_76 : memref<!tpu.dma_semaphore, #tpu.memory_space<semaphore_mem>>)
      %dma_wait3A_85 = arith.constant 0 : i32
      %dma_wait3A_86 = arith.constant 0 : i32
      %dma_wait3A_87 = tpu.memref_slice %arg5[%arg0, %dma_wait3A_85, %dma_wait3A_86] : memref<2x10240x128xf32, #tpu.memory_space<hbm>> -> memref<1x10240x128xf32, #tpu.memory_space<hbm>>
      %dma_wait3A_88 = tpu.memref_squeeze %dma_wait3A_87 : memref<1x10240x128xf32, #tpu.memory_space<hbm>> -> memref<10240x128xf32, #tpu.memory_space<hbm>>
      %dma_wait3A_89 = arith.constant 0 : i32
      %dma_wait3A_90 = tpu.memref_slice %dma_wait3A_88[%mul3A_75, %dma_wait3A_89] : memref<10240x128xf32, #tpu.memory_space<hbm>> -> memref<640x128xf32, #tpu.memory_space<hbm>>
      %dma_wait3A_91 = arith.constant 0 : i32
      %dma_wait3A_92 = tpu.memref_slice %arg9[%mul3A_73, %dma_wait3A_91] : memref<10240x128xf32, #tpu.memory_space<vmem_shared>> -> memref<640x128xf32, #tpu.memory_space<vmem_shared>>
      tpu.wait_dma2 semaphore(%run_scoped3A_76 : memref<!tpu.dma_semaphore, #tpu.memory_space<semaphore_mem>>) src(%dma_wait3A_92 : memref<640x128xf32, #tpu.memory_space<vmem_shared>>) dst(%dma_wait3A_90 : memref<640x128xf32, #tpu.memory_space<hbm>>)
      tpu.yield
    }) : () -> ()
    return
  }
}

module attributes {stable_mosaic.version = 14 : i64} {
  func.func @body(%arg0: i32, %arg1: memref<2000x128xf32, #tpu.memory_space<vmem>>, %arg2: memref<2x2000x128xf32, #tpu.memory_space<vmem>>, %arg3: memref<128x128xf32, #tpu.memory_space<vmem>>, %arg4: memref<128x128xf32, #tpu.memory_space<vmem>>, %arg5: memref<1x128xf32, #tpu.memory_space<vmem>>, %arg6: memref<2000x128xf32, #tpu.memory_space<vmem>>) attributes {dimension_semantics = [#tpu.dimension_semantics<arbitrary>], iteration_bounds = array<i64: 5>, scalar_prefetch = 0 : i64, scratch_operands = 0 : i64, tpu.core_type = #tpu.core_type<tc>, window_params = [{transform_indices = @transform_0, window_bounds = array<i64: 2000, 128>}, {transform_indices = @transform_1, window_bounds = array<i64: 2, 2000, 128>}, {pipeline_mode = #tpu.pipeline_mode<synchronous>, transform_indices = @transform_2, window_bounds = array<i64: 128, 128>}, {pipeline_mode = #tpu.pipeline_mode<synchronous>, transform_indices = @transform_3, window_bounds = array<i64: 128, 128>}, {pipeline_mode = #tpu.pipeline_mode<synchronous>, transform_indices = @transform_4, window_bounds = array<i64: 1, 128>}, {transform_indices = @transform_5, window_bounds = array<i64: 2000, 128>}]} {
    %get3A = arith.constant 0 : index
    %get3A_0 = arith.constant 0 : index
    %get3A_1 = arith.constant 0 : index
    %get3A_2 = vector.load %arg2[%get3A, %get3A_0, %get3A_1] : memref<2x2000x128xf32, #tpu.memory_space<vmem>>, vector<1x2000x128xf32>
    %get3A_3 = vector.shape_cast %get3A_2 : vector<1x2000x128xf32> to vector<2000x128xf32>
    %get3A_4 = arith.constant 1 : index
    %get3A_5 = arith.constant 0 : index
    %get3A_6 = arith.constant 0 : index
    %get3A_7 = vector.load %arg2[%get3A_4, %get3A_5, %get3A_6] : memref<2x2000x128xf32, #tpu.memory_space<vmem>>, vector<1x2000x128xf32>
    %get3A_8 = vector.shape_cast %get3A_7 : vector<1x2000x128xf32> to vector<2000x128xf32>
    %add3A = arith.addf %get3A_3, %get3A_8 : vector<2000x128xf32>
    %get3A_9 = arith.constant 0 : index
    %get3A_10 = arith.constant 0 : index
    %get3A_11 = vector.load %arg1[%get3A_9, %get3A_10] : memref<2000x128xf32, #tpu.memory_space<vmem>>, vector<2000x128xf32>
    %get3A_12 = arith.constant 0 : index
    %get3A_13 = arith.constant 0 : index
    %get3A_14 = vector.load %arg3[%get3A_12, %get3A_13] : memref<128x128xf32, #tpu.memory_space<vmem>>, vector<128x128xf32>
    %dot_general3A = arith.constant dense<0.000000e+00> : vector<2000x128xf32>
    %dot_general3A_15 = tpu.matmul %get3A_11, %get3A_14, %dot_general3A {dimension_numbers = #tpu.dot_dimension_numbers<[1], [1], [0], [0], [0, 0, 1, 0], [], []>, transpose_lhs_hint = false} : vector<2000x128xf32>, vector<128x128xf32>, vector<2000x128xf32> -> vector<2000x128xf32>
    %get3A_16 = arith.constant 0 : index
    %get3A_17 = arith.constant 0 : index
    %get3A_18 = vector.load %arg4[%get3A_16, %get3A_17] : memref<128x128xf32, #tpu.memory_space<vmem>>, vector<128x128xf32>
    %dot_general3A_19 = arith.constant dense<0.000000e+00> : vector<2000x128xf32>
    %dot_general3A_20 = tpu.matmul %add3A, %get3A_18, %dot_general3A_19 {dimension_numbers = #tpu.dot_dimension_numbers<[1], [1], [0], [0], [0, 0, 1, 0], [], []>, transpose_lhs_hint = false} : vector<2000x128xf32>, vector<128x128xf32>, vector<2000x128xf32> -> vector<2000x128xf32>
    %add3A_21 = arith.addf %dot_general3A_15, %dot_general3A_20 : vector<2000x128xf32>
    %get3A_22 = arith.constant 0 : index
    %get3A_23 = arith.constant 0 : index
    %get3A_24 = vector.load %arg5[%get3A_22, %get3A_23] : memref<1x128xf32, #tpu.memory_space<vmem>>, vector<1x128xf32>
    %add3A_25 = vector.broadcast %get3A_24 : vector<1x128xf32> to vector<2000x128xf32>
    %add3A_26 = arith.addf %add3A_21, %add3A_25 : vector<2000x128xf32>
    %swap3A = arith.constant 0 : index
    %swap3A_27 = arith.constant 0 : index
    %swap3A_28 = vector.load %arg6[%swap3A, %swap3A_27] : memref<2000x128xf32, #tpu.memory_space<vmem>>, vector<2000x128xf32>
    tpu.vector_store %arg6[%swap3A, %swap3A_27], %add3A_26 {strides = array<i32>} : memref<2000x128xf32, #tpu.memory_space<vmem>>, vector<2000x128xf32>,
    return
  }
  func.func @transform_0(%arg0: i32) -> (i32, i32) {
    %c0_i32 = arith.constant 0 : i32
    %c0_i32_0 = arith.constant 0 : i32
    return %arg0, %c0_i32 : i32, i32
  }
  func.func @transform_1(%arg0: i32) -> (i32, i32, i32) {
    %c0_i32 = arith.constant 0 : i32
    %c0_i32_0 = arith.constant 0 : i32
    %c0_i32_1 = arith.constant 0 : i32
    return %c0_i32, %arg0, %c0_i32_0 : i32, i32, i32
  }
  func.func @transform_2(%arg0: i32) -> (i32, i32) {
    %c0_i32 = arith.constant 0 : i32
    %c0_i32_0 = arith.constant 0 : i32
    %c0_i32_1 = arith.constant 0 : i32
    return %c0_i32, %c0_i32_0 : i32, i32
  }
  func.func @transform_3(%arg0: i32) -> (i32, i32) {
    %c0_i32 = arith.constant 0 : i32
    %c0_i32_0 = arith.constant 0 : i32
    %c0_i32_1 = arith.constant 0 : i32
    return %c0_i32, %c0_i32_0 : i32, i32
  }
  func.func @transform_4(%arg0: i32) -> (i32, i32) {
    %c0_i32 = arith.constant 0 : i32
    %c0_i32_0 = arith.constant 0 : i32
    %c0_i32_1 = arith.constant 0 : i32
    return %c0_i32, %c0_i32_0 : i32, i32
  }
  func.func @transform_5(%arg0: i32) -> (i32, i32) {
    %c0_i32 = arith.constant 0 : i32
    %c0_i32_0 = arith.constant 0 : i32
    return %arg0, %c0_i32 : i32, i32
  }
}

</mosaic_0001>

<sc_bundles>
// kernel: kernel.4.cloned.1.call-start
scs
__scs_entry_jumppad:
0x0: {  	(pc) =	sbr.rel $0x88, $3  }
0x1: {  	(tag) =	ssettag $0x0;
	lr =	simm.s32 $0x1  }
0x2: {  	[smem:$0x3F9D] =	sst lr;
	_ =	strace $0xD0000000  }
0x3: {  	_ = 	snop  }
0x4: {  	_ = 	snop  }
0x5: {  	_ = 	snop  }
0x6: {  	_ = 	snop  }
0x7: {  	_ = 	snop  }
__scs_overlays_trampoline_lowered:
0x8: {  	[smem:$0x3FAC] =	sst s0  }
0x9: {  	[smem:$0x3FAD] =	sst s1  }
0xa: {  	[smem:$0x3FAE] =	sst s2  }
0xb: {  	[smem:$0x3FAF] =	sst s3  }
0xc: {  	[smem:$0x3FB0] =	sst s4  }
0xd: {  	[smem:$0x3FB1] =	sst s5  }
0xe: {  	[smem:$0x3FB2] =	sst s6  }
0xf: {  	[smem:$0x3FB3] =	sst s7  }
0x10: {  	[smem:$0x3FB4] =	sst s8  }
0x11: {  	[smem:$0x3FB5] =	sst s9;
	s0 =	simm.s32 @!p0 $0x0  }
0x12: {  	s1 =	sld [smem:$0x3F9B];
	s0 =	simm.s32 @p0 $0x1  }
0x13: {  	[smem:$0x3FB6] =	sst s0;
	s0 =	simm.s32 @!p1 $0x0  }
0x14: {  	s2 =	sld [smem:$0x3F9A];
	s0 =	simm.s32 @p1 $0x1  }
0x15: {  	[smem:$0x3FB7] =	sst s0;
	s0 =	simm.s32 @!p2 $0x0  }
0x16: {  	s3 =	sld [smem:$0x3FDB];
	s0 =	simm.s32 @p2 $0x1  }
0x17: {  	s4 =	simm.s32 $0x1BF5;
	[smem:$0x3FB9] =	sst s0  }
0x18: {  	s0 =	sld [smem:$0x3F9C];
	_ =	swait.ge [sflag:s4], $0x0  }
0x19: {  	s7 =	sld [smem:$0x3F9D]  }
0x1a: {  	s8 =	sadd.s32 $0xFFFFE003, lr  }
0x1b: {  	s9 =	sadd.s32 $0xFFFFFEF7, lr;
	s5 =	simm.s32 $0xFFFFFFFF;
	p2 =	slt.u32 s8, $0xFFFFF086  }
0x1c: {  	p1 =	slt.u32 s9, $0xF7A;
	s5 =	simm.s32 @!p2 $0x0  }
0x1d: {  	s5 =	simm.s32 @p1 $0x1;
	p0 =	seq.s32 s7, s2  }
0x1e: {  	s7 =	smul.u32 @!p0 $0xF7A, s2;
	p2 =	seq.s32 @!p0 s5, $0x0  }
0x1f: {  	s9 =	smul.u32 $0xF7A, s1;
	s8 =	simm.s32 @!p0 $0x1BF5;
	p2 =	por !p2, p0  }
0x20: {  	[sflag:s8] =	ssyncset.s32 @!p0 $0xFFFFF086;
	s6 =	sadd.s32 @!p0 s3, s7;
	s7 =	simm.s32 @!p0 $0x108  }
0x21: {  	s3 =	sadd.s32 s3, s9;
	s6 =	sadd.s32 @!p0 $0x88, s6;
	s7 =	simm.s32 @p2 $0x1082  }
0x22: {  	[simem:s7], [sflag:s8] =	dma.local @!p0 [hbm:s6], $0xF7A  }
0x23: {  	s9 =	sor.u32 $0xD0000000, s2;
	s6 =	simm.s32 $0x108;
	_ =	swait.ge @!p0 [sflag:s8], $0x0  }
0x24: {  	s3 =	sadd.s32 $0x88, s3;
	s6 =	simm.s32 @!p1 $0x1082;
	[sflag:s4] =	ssyncset.s32 $0xFFFFF086  }
0x25: {  	[simem:s6], [sflag:s4] =	dma.local [hbm:s3], $0xF7A  }
0x26: {  	[smem:$0x3F9D] =	sst s1;
	(tag) =	ssettag s2;
	_ =	strace s9  }
0x27: {  	s1 =	sld [smem:$0x3FAD]  }
0x28: {  	s2 =	sld [smem:$0x3FAE]  }
0x29: {  	s4 =	sld [smem:$0x3FB0]  }
0x2a: {  	p0 =	seq.s32 s5, $0x0;
	s5 =	sld [smem:$0x3FB1]  }
0x2b: {  	s6 =	sld [smem:$0x3FB2]  }
0x2c: {  	s7 =	sld [smem:$0x3FB3]  }
0x2d: {  	s3 =	simm.s32 $0x108;
	s8 =	sld [smem:$0x3FB4]  }
0x2e: {  	s3 =	simm.s32 @!p0 $0x1082;
	s9 =	sld [smem:$0x3FB5]  }
0x2f: {  	lr =	sadd.s32 s0, s3;
	s0 =	sld [smem:$0x3FAC]  }
0x30: {  	s3 =	sld [smem:$0x3FAF]  }
0x31: {  	[smem:$0x3FB8] =	sst s10  }
0x32: {  	s10 =	sld [smem:$0x3FB6];
	_ =	sdelay $0x3  }
0x33: {  	p0 =	seq.s32 s10, $0x1;
	s10 =	sld [smem:$0x3FB8];
	_ =	sdelay $0x3  }
0x34: {  	[smem:$0x3FB8] =	sst s10  }
0x35: {  	s10 =	sld [smem:$0x3FB7];
	_ =	sdelay $0x3  }
0x36: {  	p1 =	seq.s32 s10, $0x1;
	s10 =	sld [smem:$0x3FB8];
	_ =	sdelay $0x3  }
0x37: {  	[smem:$0x3FB8] =	sst s10  }
0x38: {  	s10 =	sld [smem:$0x3FB9]  }
0x39: {  	_ = 	snop;
	(pc) =	sbr.ind lr, $3  }
0x3a: {  	_ = 	snop  }
0x3b: {  	_ = 	snop  }
0x3c: {  	p2 =	seq.s32 s10, $0x1;
	s10 =	sld [smem:$0x3FB8]  }
0x3d: {  	_ =	shalt  }
0x3e: {  	_ =	shalt  }
0x3f: {  	_ =	shalt  }
0x40: {  	_ =	shalt  }
0x41: {  	_ =	shalt  }
0x42: {  	_ =	shalt  }
0x43: {  	_ =	shalt  }
0x44: {  	_ =	shalt  }
0x45: {  	_ =	shalt  }
0x46: {  	_ =	shalt  }
0x47: {  	_ =	shalt  }
0x48: {  	_ =	shalt  }
0x49: {  	_ =	shalt  }
0x4a: {  	_ =	shalt  }
0x4b: {  	_ =	shalt  }
0x4c: {  	_ =	shalt  }
0x4d: {  	_ =	shalt  }
0x4e: {  	_ =	shalt  }
0x4f: {  	_ =	shalt  }
0x50: {  	_ =	shalt  }
0x51: {  	_ =	shalt  }
0x52: {  	_ =	shalt  }
0x53: {  	_ =	shalt  }
0x54: {  	_ =	shalt  }
0x55: {  	_ =	shalt  }
0x56: {  	_ =	shalt  }
0x57: {  	_ =	shalt  }
0x58: {  	_ =	shalt  }
0x59: {  	_ =	shalt  }
0x5a: {  	_ =	shalt  }
0x5b: {  	_ =	shalt  }
0x5c: {  	_ =	shalt  }
0x5d: {  	_ =	shalt  }
0x5e: {  	_ =	shalt  }
0x5f: {  	_ =	shalt  }
0x60: {  	_ =	shalt  }
0x61: {  	_ =	shalt  }
0x62: {  	_ =	shalt  }
0x63: {  	_ =	shalt  }
0x64: {  	_ =	shalt  }
0x65: {  	_ =	shalt  }
0x66: {  	_ =	shalt  }
0x67: {  	_ =	shalt  }
0x68: {  	_ =	shalt  }
0x69: {  	_ =	shalt  }
0x6a: {  	_ =	shalt  }
0x6b: {  	_ =	shalt  }
0x6c: {  	_ =	shalt  }
0x6d: {  	_ =	shalt  }
0x6e: {  	_ =	shalt  }
0x6f: {  	_ =	shalt  }
0x70: {  	_ =	shalt  }
0x71: {  	_ =	shalt  }
0x72: {  	_ =	shalt  }
0x73: {  	_ =	shalt  }
0x74: {  	_ =	shalt  }
0x75: {  	_ =	shalt  }
0x76: {  	_ =	shalt  }
0x77: {  	_ =	shalt  }
0x78: {  	_ =	shalt  }
0x79: {  	_ =	shalt  }
0x7a: {  	_ =	shalt  }
0x7b: {  	_ =	shalt  }
0x7c: {  	_ =	shalt  }
0x7d: {  	_ =	shalt  }
0x7e: {  	_ =	shalt  }
0x7f: {  	_ =	shalt  }
0x80: {  	_ =	shalt  }
0x81: {  	_ =	shalt  }
0x82: {  	_ =	shalt  }
0x83: {  	_ =	shalt  }
0x84: {  	_ =	shalt  }
0x85: {  	_ =	shalt  }
0x86: {  	_ =	shalt  }
0x87: {  	_ =	shalt  }
.Lfunc_end0:
.L_simem_size_0:
called_computation_lowered:
.L_overlay_start_0:
0x88: {  	s2 =	sld [smem:$0x3FD9]  }
0x89: {  	s3 =	sld [smem:$0x3FFE];
	_ =	sdelay $0x1  }
0x8a: {  	s1 =	srdreg.scid  }
0x8b: {  	s0 =	sand.u32 $0x1, s1  }
0x8c: {  	s17 =	sshll.u32 s0, $0xA;
	s2 =	sadd.s32 s3, s2  }
0x8d: {  	s2 =	sadd.s32 s2, s17  }
0x8e: {  	[smem:$0x3FC4] =	sst s2  }
0x8f: {  	_ = 	snop  }
0x90: {  	s2 =	sld [smem:$0x3FC9]  }
0x91: {  	s18 =	sld [smem:$0x3FD0];
	(tm) =	ssettm $0x1  }
0x92: {  	s4 =	sld [smem:$0x3FFB];
	_ =	sdelay $0x3  }
0x93: {  	_ =	strace s4  }
0x94: {  	s4 =	sld [smem:$0x3FFC];
	_ =	sdelay $0x3  }
0x95: {  	_ =	strace s4  }
0x96: {  	s4 =	sld [smem:$0x3FFD];
	_ =	sdelay $0x3  }
0x97: {  	_ =	strace s4  }
0x98: {  	_ =	strace $0x8FFFFFFF  }
0x99: {  	s19 =	sld [smem:$0x3FDB];
	_ =	sdelay $0x1  }
0x9a: {  	s5 =	simm.s32 $_scs_section_size  }
0x9b: {  	s6 =	simm.s32 $_size__tile_overlayer_lowered;
	s7 =	simm.s32 $_tile_overlayer_lowered  }
0x9c: {  	s22 =	simm.s32 $0x1BFF;
	s21 =	sshll.u32 s7, $0x1;
	s4 =	sadd.s32 s5, s19  }
0x9d: {  	s8 =	simm.s32 $0x0;
	s20 =	sshll.u32 s6, $0x1;
	s6 =	sadd.s32 s21, s4  }
0x9e: {  	[timem:s8], [sflag:s22] =	dma.local [hbm:s6], s20  }
0x9f: {  	_ =	swait.ge [sflag:s22], s20  }
0xa0: {  	s5 =	ssub.s32 $0x0, s20;
	[sflag:s22] =	ssyncset.done $0x0  }
0xa1: {  	[sflag:s22] =	ssyncadd.s32 s5;
	_ =	sdelay $0x1  }
0xa2: {  	s23 =	simm.s32 $0x1B8B  }
0xa3: {  	_ =	swait.ge [sflag:s23], $0x1  }
0xa4: {  	[sflag:s23] =	ssyncset.done $0x0  }
0xa5: {  	s25 =	simm.s32 $0x1B8E;
	s24 =	sld [smem:$0x3FFE];
	[sflag:s23] =	ssyncadd.s32 $0xFFFFFFFF  }
0xa6: {  	s26 =	simm.s32 $execute0_lowered;
	[smem:$0x3FD2] =	sst s25  }
0xa7: {  	s6 =	sshll.u32 s26, $0x1;
	_ =	strace $0x80000046;
	[dreg:$0x1] =	wrdreg $0xFFFFFFFF  }
0xa8: {  	s28 =	simm.s32 $_size_execute0_lowered;
	s4 =	sadd.s32 s4, s6;
	[dreg:$0x0] =	wrdreg $0x0  }
0xa9: {  	s6 =	sshll.u32 s28, $0x1;
	[dreg:$0x2] =	wrdreg s4  }
0xaa: {  	[dreg:$0x3] =	wrdreg s6  }
0xab: {  	[dreg:$0x4] =	wrdreg $0xC0  }
0xac: {  	_ =	task [dreg:s8], $0x5FFFF  }
0xad: {  	[dreg:$0x1] =	wrdreg $0xFFFFFFFF  }
0xae: {  	[dreg:$0x0] =	wrdreg $0x60  }
0xaf: {  	[dreg:$0x2] =	wrdreg s2  }
0xb0: {  	[dreg:$0x3] =	wrdreg s24  }
0xb1: {  	[dreg:$0x4] =	wrdreg s18  }
0xb2: {  	[dreg:$0x5] =	wrdreg $0xB9000  }
0xb3: {  	[dreg:$0x6] =	wrdreg $0x9  }
0xb4: {  	_ =	task.clear_ibuf [dreg:s8], $0x7FFFF;
	_ =	strace $0x90000046  }
0xb5: {  	s29 =	simm.s32 $0x9;
	_ =	strace $0x80000048  }
0xb6: {  	_ =	swait.ge [sflag:s29], $0x1  }
0xb7: {  	[sflag:s29] =	ssyncadd.s32 $0xFFFFFFFF  }
0xb8: {  	_ =	strace $0x90000048  }
0xb9: {  	_ =	sfence  }
0xba: {  	s30 =	sld [smem:$0x0];
	_ =	sdelay $0x2  }
0xbb: {  	s31 =	sshll.u32 s1, $0xD;
	s1 =	sshrl.u32 s1, $0x2  }
0xbc: {  	s3 =	sand.u32 $0x4000, s31;
	s1 =	sadd.s32 s1, s30  }
0xbd: {  	s0 =	sor.u32 s3, s0;
	s1 =	sshll.u32 s1, $0x11  }
0xbe: {  	s0 =	sor.u32 s1, s0  }
0xbf: {  	s0 =	sadd.s32 $0x8F2B, s0  }
0xc0: {  	[sflag:s0] =	ssyncadd.remote.s32 $0x1  }
0xc1: {  	_ =	sfence.sel $0xFFFF  }
0xc2: {  	[dreg:$0x0] =	wrdreg $0xFFFFFFFF;
	(pc) =	sbr.abs _section_cstart, $3  }
0xc3: {  	[dreg:$0x1] =	wrdreg $0xFFFFFFFF  }
0xc4: {  	_ =	task.clear_ibuf [dreg:s8], $0x2FFFF;
	_ =	strace $0x9FFFFFFF  }
0xc5: {  	(tm) =	ssettm $0x7FFFFFFF  }
tec
execute0_lowered:
.L_overlay_start_1:
0x0: {  	(tag) =	ssettag $0x1  }
0x1: {  	s1 =	rddreg [dreg:$0x0]  }
0x2: {  	s0 =	rddreg [dreg:$0x1]  }
0x3: {  	s2 =	rddreg [dreg:$0x2]  }
0x4: {  	s3 =	rddreg [dreg:$0x3]  }
0x5: {  	s5 =	srdreg.scid;
	s12 =	stileid.u32;
	s4 =	simm.s32 $0x0  }
0x6: {  	s18 =	simm.s32 $0x4100;
	s19 =	simm.s32 $0x4;
	s11 =	smul.u32 $0x50000, s12  }
0x7: {  	s20 =	simm.s32 $0x50;
	s5 =	sand.u32 $0x1, s5;
	s25 =	smul.u32 $0x2800, s12  }
0x8: {  	s6 =	sshll.u32 s12, $0x1;
	[smem:$0x7FF] =	sst s4;
	s7 =	smul.u32 $0x28000, s5  }
0x9: {  	s6 =	sor.u32 s5, s6;
	_ =	strace $0x80000047;
	s8 =	ssub.s32 $0x2, s5  }
0xa: {  	s5 =	sadd.s32 $0xC00, s0;
	s9 =	smul.u32 $0x2710, s6;
	s21 =	sshrl.u32 s8, $0x1  }
0xb: {  	s6 =	sshll.u32 s6, $0xB;
	s24 =	sshrl.u32 s11, $0x2;
	s0 =	sadd.s32 s7, s0  }
0xc: {  	s7 =	ssub.s32 s8, s21;
	s2 =	sadd.s32 s2, s6;
	s10 =	sshrl.u32 s9, $0x3  }
0xd: {  	[dreg:$0x6] =	wrdreg s2;
	s23 =	sadd.s32 $0xA0, s9;
	s0 =	sadd.s32 $0xAA00, s0  }
0xe: {  	s9 =	sadd.s32 s24, s3;
	s26 =	smax.u32 s7, $0x1;
	[dreg:$0x5] =	wrdreg s23  }
0xf: {  	s22 =	sadd.s32 s5, s10;
	[dreg:$0x9] =	wrdreg s26;
	s28 =	sadd.s32 $0x2800, s9  }
0x10: {  	s29 =	sadd.s32 $0x5000, s9;
	s30 =	sadd.s32 $0x7800, s9;
	[dreg:$0x7] =	wrdreg s22  }
0x11: {  	s31 =	sadd.s32 $0xA000, s9;
	s15 =	sadd.s32 $0xC800, s9;
	[dreg:$0xa] =	wrdreg s28  }
0x12: {  	s16 =	sadd.s32 $0xF000, s9;
	s17 =	sadd.s32 $0x11800, s9;
	[dreg:$0xb] =	wrdreg s29  }
0x13: {  	s23 =	simm.s32 $0x1;
	s24 =	sadd.s32 s25, s0;
	[dreg:$0xc] =	wrdreg s30  }
0x14: {  	s25 =	simm.s32 $0x3;
	s2 =	sadd.s32 $0xA, s22;
	[dreg:$0xd] =	wrdreg s31  }
0x15: {  	v0 =	vimm.f32 $0.0e+00;
	s26 =	simm.s32 $0x0;
	s22 =	simm.s32 $0x2;
	[dreg:$0x8] =	wrdreg s2  }
.LBB2_1:
0x16: {  	s0 =	simm.s32 $0x0;
	s2 =	simm.s32 $0x200  }
.LBB2_2:
0x17: {  	p0 =	sne.s32 s2, $0x9E00;
	[tilespmem:s0+$0x4170] =	vst v0  }
0x18: {  	[tilespmem:s0+$0x4100] =	vst v0  }
0x19: {  	[tilespmem:s0+$0x4110] =	vst v0  }
.Ltmp0:
0x1a: {  	[tilespmem:s0+$0x4120] =	vst v0;
	(pc) =	sbr.rel @p0 .LBB2_2-.Ltmp0, $4  }
0x1b: {  	[tilespmem:s0+$0x4130] =	vst v0  }
0x1c: {  	[tilespmem:s0+$0x4140] =	vst v0  }
0x1d: {  	[tilespmem:s0+$0x4150] =	vst v0  }
0x1e: {  	[tilespmem:s0+$0x4160] =	vst v0;
	s0 =	sshra.s32 s2, $0x2;
	s2 =	sadd.s32 $0x200, s2  }
0x1f: {  	[tilespmem:s0+$0x4170] =	vst v0  }
0x20: {  	[tilespmem:s0+$0x4100] =	vst v0  }
0x21: {  	[tilespmem:s0+$0x4110] =	vst v0  }
0x22: {  	[tilespmem:s0+$0x4120] =	vst v0  }
0x23: {  	[tilespmem:s0+$0x4130] =	vst v0  }
0x24: {  	[tilespmem:s0+$0x4140] =	vst v0  }
0x25: {  	[tilespmem:s0+$0x4150] =	vst v0  }
0x26: {  	[tilespmem:s0+$0x4160] =	vst v0  }
0x27: {  	[spmem:s9] =	stream.linear.scatter [tilespmem:s18], [sflag:$0x4], $0x2800, $0x38;
	[tilespmem:$0x1F900] =	vst v63  }
0x28: {  	_ =	swait.ge [sflag:s19], $0x2800  }
0x29: {  	[sflag:s19] =	ssyncset.done $0x0  }
0x2a: {  	s6 =	rddreg [dreg:$0xa];
	[sflag:s19] =	ssyncadd.s32 $0xFFFFD800  }
0x2b: {  	[spmem:s6] =	stream.linear.scatter [tilespmem:s18], [sflag:$0x4], $0x2800, $0x38;
	[tilespmem:$0x1F900] =	vst v63  }
0x2c: {  	_ =	swait.ge [sflag:s19], $0x2800  }
0x2d: {  	[sflag:s19] =	ssyncset.done $0x0  }
0x2e: {  	s7 =	rddreg [dreg:$0xb];
	[sflag:s19] =	ssyncadd.s32 $0xFFFFD800  }
0x2f: {  	[spmem:s7] =	stream.linear.scatter [tilespmem:s18], [sflag:$0x4], $0x2800, $0x38;
	[tilespmem:$0x1F900] =	vst v63  }
0x30: {  	_ =	swait.ge [sflag:s19], $0x2800  }
0x31: {  	[sflag:s19] =	ssyncset.done $0x0  }
0x32: {  	s8 =	rddreg [dreg:$0xc];
	[sflag:s19] =	ssyncadd.s32 $0xFFFFD800  }
0x33: {  	[spmem:s8] =	stream.linear.scatter [tilespmem:s18], [sflag:$0x4], $0x2800, $0x38;
	[tilespmem:$0x1F900] =	vst v63  }
0x34: {  	_ =	swait.ge [sflag:s19], $0x2800  }
0x35: {  	[sflag:s19] =	ssyncset.done $0x0  }
0x36: {  	s10 =	rddreg [dreg:$0xd];
	[sflag:s19] =	ssyncadd.s32 $0xFFFFD800  }
0x37: {  	[spmem:s10] =	stream.linear.scatter [tilespmem:s18], [sflag:$0x4], $0x2800, $0x38;
	[tilespmem:$0x1F900] =	vst v63  }
0x38: {  	_ =	swait.ge [sflag:s19], $0x2800  }
0x39: {  	[sflag:s19] =	ssyncset.done $0x0  }
0x3a: {  	[sflag:s19] =	ssyncadd.s32 $0xFFFFD800  }
0x3b: {  	[spmem:s15] =	stream.linear.scatter [tilespmem:s18], [sflag:$0x4], $0x2800, $0x38;
	[tilespmem:$0x1F900] =	vst v63  }
0x3c: {  	_ =	swait.ge [sflag:s19], $0x2800  }
0x3d: {  	[sflag:s19] =	ssyncset.done $0x0  }
0x3e: {  	[sflag:s19] =	ssyncadd.s32 $0xFFFFD800  }
0x3f: {  	[spmem:s16] =	stream.linear.scatter [tilespmem:s18], [sflag:$0x4], $0x2800, $0x38;
	[tilespmem:$0x1F900] =	vst v63  }
0x40: {  	_ =	swait.ge [sflag:s19], $0x2800  }
0x41: {  	s29 =	simm.s32 $0x100;
	s14 =	simm.s32 $0x1;
	[sflag:s19] =	ssyncset.done $0x0  }
0x42: {  	s2 =	simm.s32 $0x80;
	s0 =	smul.u32 $0xAB, s14;
	[sflag:s19] =	ssyncadd.s32 $0xFFFFD800  }
0x43: {  	[spmem:s17] =	stream.linear.scatter [tilespmem:s18], [sflag:$0x4], $0x2800, $0x38;
	[tilespmem:$0x1F900] =	vst v63  }
0x44: {  	s21 =	simm.s32 $0x0;
	s0 =	sshrl.u32 s0, $0x9;
	_ =	swait.ge [sflag:s19], $0x2800  }
0x45: {  	s28 =	simm.s32 $0x80;
	s0 =	sand.u32 $0x7F, s0;
	[sflag:s19] =	ssyncset.done $0x0  }
0x46: {  	s6 =	simm.s32 $0x0;
	s11 =	rddreg [dreg:$0x6];
	[sflag:s19] =	ssyncadd.s32 $0xFFFFD800  }
0x47: {  	[tilespmem:s29], [sflag:$0x4] =	stream.linear.gather [hbm4b:s11+s6], $0x3E80, $0x38;
	[tilespmem:$0x1F900] =	vst v63  }
0x48: {  	s30 =	simm.s32 $0x1;
	s0 =	smul.u32 $0x3, s0;
	_ =	swait.ge [sflag:s19], $0x3E80  }
0x49: {  	p0 =	por $0x1, $0x1;
	s7 =	smul.u32 $0xAB, s21;
	[sflag:s19] =	ssyncset.done $0x0  }
0x4a: {  	s31 =	simm.s32 $0x180;
	s0 =	ssub.s32 $0x1, s0;
	[sflag:s19] =	ssyncadd.s32 $0xFFFFC180  }
0x4b: {  	s0 =	sand.u32 $0xFF, s0;
	s7 =	sshrl.u32 s7, $0x9;
	[bflag:$0x0] =	sbarrier.arrive $0xFFFF  }
0x4c: {  	s0 =	smul.u32 $0xA000, s0;
	s7 =	sand.u32 $0x7F, s7;
	s12 =	rddreg [dreg:$0x7]  }
0x4d: {  	[tilespmem:s6], [sflag:$0x4] =	stream.linear.gather [hbm4b:s12+s6], $0x50, $0x38;
	[tilespmem:$0x1F900] =	vst v63  }
0x4e: {  	s0 =	sshrl.u32 s0, $0x2;
	s7 =	smul.u32 $0x3, s7;
	_ =	swait.ge [sflag:s19], $0x50  }
0x4f: {  	s0 =	sadd.s32 $0x4100, s0;
	s8 =	simm.s32 @!p0 $0x3;
	[sflag:s19] =	ssyncset.done $0x0  }
0x50: {  	s7 =	ssub.s32 $0x0, s7;
	s10 =	smul.u32 $0xAB, s30;
	[sflag:s19] =	ssyncadd.s32 $0xFFFFFFB0  }
0x51: {  	[tilespmem:s18], [sflag:$0x1] =	stream.indirect.gather [hbm4b:s1+s20], $0x80, s6, s20, $0xb8;
	[tilespmem:$0x1F900] =	vst v63  }
0x52: {  	s7 =	sand.u32 $0xFF, s7;
	s10 =	sshrl.u32 s10, $0x9;
	s13 =	rddreg [dreg:$0x8]  }
0x53: {  	[tilespmem:s2], [sflag:$0x2] =	stream.linear.gather [hbm4b:s13+s6], $0x50, $0x38;
	[tilespmem:$0x1F900] =	vst v63  }
0x54: {  	s7 =	smul.u32 $0xA000, s7;
	s10 =	sand.u32 $0x7F, s10;
	_ =	swait.ge @!p0 [sflag:s8], $0x2800  }
0x55: {  	s10 =	smul.u32 $0x3, s10;
	s11 =	sand.u32 $0x80, s28;
	[sflag:s8] =	ssyncset.done @!p0 $0x0  }
0x56: {  	s2 =	smin.u32 s21, $0x7A;
	s21 =	simm.s32 $0x100;
	[sflag:s8] =	ssyncadd.s32 @!p0 $0xFFFFD800  }
0x57: {  	s8 =	ssub.s32 $0x1, s10;
	s10 =	simm.s32 $0x2;
	_ =	swait.ge [sflag:s22], $0x50  }
0x58: {  	s12 =	sand.u32 $0xFF, s8;
	s14 =	smul.u32 $0xAB, s10;
	[sflag:s22] =	ssyncset.done $0x0  }
0x59: {  	s8 =	sshrl.u32 s7, $0x2;
	s13 =	smul.u32 $0xA000, s12;
	[sflag:s22] =	ssyncadd.s32 $0xFFFFFFB0  }
0x5a: {  	[tilespmem:s0], [sflag:$0x1] =	stream.indirect.gather [hbm4b:s1+s20], $0x80, s11, s20, $0xb8;
	[tilespmem:$0x1F900] =	vst v63  }
0x5b: {  	s7 =	sand.u32 $0x80, s6;
	s12 =	smul.u32 $0x50, s2;
	_ =	swait.ge [sflag:s23], $0x2800  }
0x5c: {  	s6 =	simm.s32 $0x100;
	s0 =	smin.u32 s30, $0x7A;
	s11 =	rddreg [dreg:$0x5]  }
0x5d: {  	s2 =	sshrl.u32 s13, $0x2;
	[sflag:s23] =	ssyncset.done $0x0;
	s12 =	sadd.s32 s12, s11  }
0x5e: {  	s11 =	sadd.s32 $0x4100, s8;
	s8 =	simm.s32 $0x3;
	s13 =	sshrl.u32 s12, $0x3  }
0x5f: {  	[sflag:s23] =	ssyncadd.s32 $0xFFFFD800;
	s12 =	sshrl.u32 s14, $0x9;
	s13 =	sadd.s32 s5, s13  }
.LBB2_4:
0x60: {  	[tilespmem:s7], [sflag:$0x2] =	stream.linear.gather [hbm4b:s13+s4], $0x50, $0x38;
	[tilespmem:$0x1F900] =	vst v63  }
0x61: {  	s7 =	smov.u32 s28;
	s28 =	smov.u32 s21  }
0x62: {  	s13 =	smov.u32 s0;
	p1 =	slt.u32 s30, $0x2;
	s14 =	sand.u32 $0x7F, s12  }
0x63: {  	s30 =	sadd.s32 $0xFFFFFFFF, s8;
	s21 =	sadd.s32 $0x80, s21;
	s14 =	smul.u32 $0x3, s14  }
0x64: {  	s6 =	sand.u32 $0x80, s6;
	s12 =	simm.s32 @!p1 $0x3;
	s13 =	smul.u32 $0x50, s13  }
0x65: {  	[spmem:s3] =	stream.indirect.scatter.add.f32 [tilespmem:s11], [sflag:$0x3], $0x80, s29, s20, $0xb8;
	[tilespmem:$0x1F900] =	vst v63  }
0x66: {  	s0 =	smin.u32 s30, $0x7A;
	p0 =	sne.s32 s21, $0x3E80;
	s11 =	smul.u32 $0xAB, s30  }
0x67: {  	s7 =	sand.u32 $0x80, s7;
	s10 =	ssub.s32 s10, s14;
	_ =	swait.ge @!p1 [sflag:s12], $0x2800  }
0x68: {  	s10 =	sand.u32 $0xFF, s10;
	s11 =	sshrl.u32 s11, $0x9;
	[sflag:s12] =	ssyncset.done @!p1 $0x0  }
0x69: {  	s10 =	smul.u32 $0xA000, s10;
	s11 =	sand.u32 $0x7F, s11;
	[sflag:s12] =	ssyncadd.s32 @!p1 $0xFFFFD800  }
0x6a: {  	s29 =	smov.u32 s31;
	s14 =	smul.u32 $0x3, s11;
	_ =	swait.ge [sflag:s22], $0x50  }
0x6b: {  	s12 =	smov.u32 s2;
	s10 =	sshrl.u32 s10, $0x2;
	[sflag:s22] =	ssyncset.done $0x0  }
0x6c: {  	s10 =	sadd.s32 $0x4100, s10;
	s2 =	ssub.s32 s30, s14;
	[sflag:s22] =	ssyncadd.s32 $0xFFFFFFB0  }
0x6d: {  	[tilespmem:s10], [sflag:$0x1] =	stream.indirect.gather [hbm4b:s1+s20], $0x80, s6, s20, $0xb8;
	[tilespmem:$0x1F900] =	vst v63  }
0x6e: {  	s31 =	sadd.s32 $0x80, s31;
	s14 =	smul.u32 $0xAB, s8;
	s2 =	sand.u32 $0xFF, s2  }
.Ltmp1:
0x6f: {  	s6 =	smov.u32 s21;
	_ =	swait.ge [sflag:s23], $0x2800;
	(pc) =	sbr.rel @p0 .LBB2_4-.Ltmp1, $4  }
0x70: {  	s10 =	smov.u32 s8;
	s2 =	smul.u32 $0xA000, s2;
	s11 =	rddreg [dreg:$0x5]  }
0x71: {  	s8 =	sadd.s32 $0x1, s8;
	[sflag:s23] =	ssyncset.done $0x0;
	s13 =	sadd.s32 s13, s11  }
0x72: {  	s2 =	sshrl.u32 s2, $0x2;
	s11 =	sadd.s32 $0x4100, s12;
	s13 =	sshrl.u32 s13, $0x3  }
0x73: {  	s12 =	sshrl.u32 s14, $0x9;
	[sflag:s23] =	ssyncadd.s32 $0xFFFFD800;
	s13 =	sadd.s32 s5, s13  }
0x74: {  	[tilespmem:s7], [sflag:$0x2] =	stream.linear.gather [hbm4b:s13+s4], $0x50, $0x38;
	[tilespmem:$0x1F900] =	vst v63  }
0x75: {  	p0 =	slt.u32 s30, $0x2;
	s13 =	sand.u32 $0x7F, s12  }
0x76: {  	s8 =	simm.s32 @!p0 $0x3;
	s7 =	smul.u32 $0x3, s13  }
0x77: {  	[spmem:s3] =	stream.indirect.scatter.add.f32 [tilespmem:s11], [sflag:$0x3], $0x80, s29, s20, $0xb8;
	[tilespmem:$0x1F900] =	vst v63  }
0x78: {  	s7 =	ssub.s32 s10, s7;
	_ =	swait.ge @!p0 [sflag:s8], $0x2800  }
0x79: {  	s7 =	sand.u32 $0xFF, s7;
	[sflag:s8] =	ssyncset.done @!p0 $0x0  }
0x7a: {  	s7 =	smul.u32 $0xA000, s7;
	[sflag:s8] =	ssyncadd.s32 @!p0 $0xFFFFD800  }
0x7b: {  	_ =	swait.ge [sflag:s22], $0x50  }
0x7c: {  	s7 =	sshrl.u32 s7, $0x2;
	[sflag:s22] =	ssyncset.done $0x0  }
0x7d: {  	s6 =	sand.u32 $0x80, s6;
	s7 =	sadd.s32 $0x4100, s7;
	[sflag:s22] =	ssyncadd.s32 $0xFFFFFFB0  }
0x7e: {  	[tilespmem:s7], [sflag:$0x1] =	stream.indirect.gather [hbm4b:s1+s20], $0x80, s6, s20, $0xb8;
	[tilespmem:$0x1F900] =	vst v63  }
0x7f: {  	s0 =	smul.u32 $0x50, s0;
	_ =	swait.ge [sflag:s23], $0x2800  }
0x80: {  	s14 =	rddreg [dreg:$0x5]  }
0x81: {  	s0 =	sadd.s32 s0, s14  }
0x82: {  	[sflag:s23] =	ssyncset.done $0x0;
	s0 =	sshrl.u32 s0, $0x3  }
0x83: {  	s21 =	sand.u32 $0x80, s28;
	[sflag:s23] =	ssyncadd.s32 $0xFFFFD800;
	s0 =	sadd.s32 s5, s0  }
0x84: {  	[tilespmem:s21], [sflag:$0x2] =	stream.linear.gather [hbm4b:s0+s4], $0x50, $0x38;
	[tilespmem:$0x1F900] =	vst v63  }
0x85: {  	s28 =	sadd.s32 $0x4100, s2  }
0x86: {  	[spmem:s3] =	stream.indirect.scatter.add.f32 [tilespmem:s28], [sflag:$0x3], $0x80, s31, s20, $0xb8;
	[tilespmem:$0x1F900] =	vst v63  }
0x87: {  	_ =	swait.ge [sflag:s23], $0x2800  }
0x88: {  	[sflag:s23] =	ssyncset.done $0x0  }
0x89: {  	[sflag:s23] =	ssyncadd.s32 $0xFFFFD800  }
0x8a: {  	_ =	swait.ge [sflag:s22], $0x50  }
0x8b: {  	[sflag:s22] =	ssyncset.done $0x0  }
0x8c: {  	[sflag:s22] =	ssyncadd.s32 $0xFFFFFFB0  }
0x8d: {  	_ =	swait.ge [sflag:s25], $0x2800  }
0x8e: {  	[sflag:s25] =	ssyncset.done $0x0  }
0x8f: {  	[sflag:s25] =	ssyncadd.s32 $0xFFFFD800  }
0x90: {  	_ =	swait.ge [sflag:s25], $0x2800  }
0x91: {  	s29 =	stileid.u32;
	[sflag:s25] =	ssyncset.done $0x0  }
0x92: {  	s0 =	sshll.u32 s29, $0x6;
	[sflag:s25] =	ssyncadd.s32 $0xFFFFD800  }
0x93: {  	s30 =	sshrl.u32 s9, $0x3;
	s0 =	sor.u32 $0x1C04, s0;
	[bflag:$0x0] =	sbarrier.arrive $0xFFFF  }
0x94: {  	[hbm:s24], [sflag:s0] =	dma.local [spmem:s30], $0x2800  }
0x95: {  	_ =	swait.ge [sflag:s19], $0x2800  }
0x96: {  	s26 =	sadd.s32 $0x1, s26;
	s31 =	rddreg [dreg:$0x9]  }
0x97: {  	p0 =	sne.s32 s26, s31  }
.Ltmp2:
0x98: {  	_ = 	snop;
	(pc) =	sbr.rel @p0 .LBB2_1-.Ltmp2, $3  }
0x99: {  	_ =	sdelay $0x1  }
0x9a: {  	[sflag:s19] =	ssyncset.done $0x0  }
0x9b: {  	[sflag:s19] =	ssyncadd.s32 $0xFFFFD800  }
0x9c: {  	_ =	sfence.sel $0x180000  }
0x9d: {  	[bflag:$0x0] =	sbarrier.arrive $0xFFFF  }
0x9e: {  	_ =	strace $0x90000047  }
0x9f: {  	s0 =	stileid.u32;
	[bflag:$0x2] =	sbarrier.arrive $0xFFFF  }
0xa0: {  	p0 =	sne.s32 s0, $0x0;
	s0 =	rddreg [dreg:$0x4]  }
0xa1: {  	s0 =	sadd.s32 @!p0 $0x100000, s0  }
0xa2: {  	[sflag:s0] =	ssyncadd.tile.s32 @!p0 $0x1;
	_ =	shalt  }
.Lfunc_end2:
_tile_overlayer_lowered:
.L_overlay_start_2:
0xa3: {  	(tag) =	ssettag $0x2  }
0xa4: {  	s0 =	rddreg [dreg:$0x0];
	s2 =	stileid.u32  }
0xa5: {  	s1 =	rddreg [dreg:$0x1];
	p0 =	sne.s32 s2, $0x0  }
0xa6: {  	s3 =	rddreg [dreg:$0x2];
	[bflag:$0x3] =	sbarrier.arrive $0xFFFF;
	s2 =	simm.s32 @!p0 $0x1C04  }
0xa7: {  	[timem:s3], [sflag:s2] =	dma.local @!p0 [hbm:s0], s1  }
0xa8: {  	s0 =	simm.s32 @!p0 $0x4  }
0xa9: {  	_ =	swait.ge @!p0 [sflag:s0], s1  }
0xaa: {  	s1 =	ssub.s32 @!p0 $0x0, s1;
	[sflag:s0] =	ssyncset.done @!p0 $0x0  }
0xab: {  	[sflag:s0] =	ssyncadd.s32 @!p0 s1  }
0xac: {  	[bflag:$0x3] =	sbarrier.arrive $0xFFFF  }
0xad: {  	_ =	shalt  }

</sc_bundles>
